<compile_context>
chip_gen: v7x
topology: tpu7x:2x2x1
jax: 0.10.2.dev20260603
libtpu: 0.0.44.dev20260713+nightly
codegen_flags: <defaults>
</compile_context>

<pallas_src>
import functools

import jax
import jax.numpy as jnp
from jax import lax
from jax.experimental import pallas as pl
from jax.experimental import layout as jlayout
from jax.experimental.pallas import tpu as pltpu
from jax.experimental.pallas import tpu_sc as plsc

VOCAB = 1000000
SEQ = 200
DIM = 64
BATCH = 4096

NC = 2
NS = 16
NW = NC * NS

SEQ_PER_W = BATCH // NW
SEQ_PER_CHUNK = 2
NCHUNK = SEQ_PER_W // SEQ_PER_CHUNK


def _body(token_hbm, idx_hbm, pos_hbm, out_hbm,
          idx_v, rows_v, posrep_sh, sem_f, sem_g, sem_o):
    sid = lax.axis_index("s")
    wid = sid * NC + lax.axis_index("c")
    w_base = wid * SEQ_PER_W

    @pl.when(sid == 0)
    def _():
        for r in range(SEQ_PER_CHUNK):
            pltpu.sync_copy(pos_hbm, posrep_sh.at[r])
    plsc.subcore_barrier()

    def fill_and_gather(t, b):
        seq0 = w_base + t * SEQ_PER_CHUNK
        pltpu.sync_copy(idx_hbm.at[pl.ds(seq0, SEQ_PER_CHUNK)], idx_v.at[b])
        pltpu.async_copy(posrep_sh, rows_v.at[b], sem_f.at[b]).wait()
        for r in range(SEQ_PER_CHUNK):
            pltpu.async_copy(token_hbm.at[idx_v.at[b, r]], rows_v.at[b, r],
                             sem_g.at[b], add=True)

    fill_and_gather(0, 0)

    def chunk_body(t, _):
        b = lax.rem(t, 2)
        nb = 1 - b

        @pl.when(t + 1 < NCHUNK)
        def _():
            @pl.when(t >= 1)
            def _():
                pltpu.make_async_copy(rows_v.at[nb],
                                      out_hbm.at[pl.ds(0, SEQ_PER_CHUNK)],
                                      sem_o.at[nb]).wait()
            fill_and_gather(t + 1, nb)

        for r in range(SEQ_PER_CHUNK):
            pltpu.make_async_copy(token_hbm.at[idx_v.at[b, r]],
                                  rows_v.at[b, r], sem_g.at[b]).wait()
        seq0 = w_base + t * SEQ_PER_CHUNK
        pltpu.async_copy(rows_v.at[b],
                         out_hbm.at[pl.ds(seq0, SEQ_PER_CHUNK)],
                         sem_o.at[b])
        return ()

    lax.fori_loop(0, NCHUNK, chunk_body, ())

    for b in range(2):
        pltpu.make_async_copy(rows_v.at[b],
                              out_hbm.at[pl.ds(0, SEQ_PER_CHUNK)],
                              sem_o.at[b]).wait()


@jax.jit
def _run(idx, token_table, pos_table):
    mesh = plsc.VectorSubcoreMesh(core_axis_name="c", subcore_axis_name="s")
    f = functools.partial(
        pl.kernel,
        out_type=jax.ShapeDtypeStruct((BATCH, SEQ, DIM), jnp.float32),
        mesh=mesh,
        scratch_types=[
            pltpu.VMEM((2, SEQ_PER_CHUNK, SEQ), jnp.int32),
            pltpu.VMEM((2, SEQ_PER_CHUNK, SEQ, DIM), jnp.float32),
            pltpu.VMEM_SHARED((SEQ_PER_CHUNK, SEQ, DIM), jnp.float32),
            pltpu.SemaphoreType.DMA((2,)),
            pltpu.SemaphoreType.DMA((2,)),
            pltpu.SemaphoreType.DMA((2,)),
        ],
        compiler_params=pltpu.CompilerParams(use_tc_tiling_on_sc=False),
    )(_body)
    return f(token_table, idx, pos_table)


def kernel(inputs, token_table, pos_table):
    if inputs.dtype != jnp.int32:
        inputs = inputs.astype(jnp.int32)
    out = _run(inputs, token_table, pos_table)
    if isinstance(out, jax.core.Tracer):
        out = jlayout.with_layout_constraint(
            out, jlayout.Layout(major_to_minor=(0, 1, 2)))
    return out

# --- scband reference (transcript-rebuilt; emitter-appended) ---
"""Pipeline reference for scband-positional-embedding-8194797601242 (READ-ONLY COPY).

The authoritative reference and input builder live on the scoring server;
editing this copy changes nothing except your own understanding.
"""

import jax, jax.numpy as jnp
import numpy as np

VOCAB = 1000000
SEQ_LEN = 200
DIM = 64
BATCH = 4096

def setup_inputs(seed: int = 0) -> dict:
    key = jax.random.key(seed)
    k1, k2, k3 = jax.random.split(key, 3)
    inputs = jax.random.randint(k1, (BATCH, SEQ_LEN), 0, VOCAB, dtype=jnp.int64 if jax.config.jax_enable_x64 else jnp.int32)
    token_table = jax.random.normal(k2, (VOCAB, DIM), dtype=jnp.float32) * 0.02
    pos_table = jax.random.normal(k3, (SEQ_LEN, DIM), dtype=jnp.float32) * 0.02
    return {"inputs": inputs, "token_table": token_table, "pos_table": pos_table}

def reference(inputs, token_table, pos_table):
    length = inputs.shape[-1]
    positions = jnp.arange(length)
    embedded_tokens = jnp.take(token_table, inputs, axis=0)
    embedded_positions = jnp.take(pos_table, positions, axis=0)
    embedded = embedded_tokens + embedded_positions[None, :, :]
    return embedded

if __name__ == "__main__":
    import jax
    _d = setup_inputs()
    print(jax.jit(kernel)(*tuple(_d.values())))

</pallas_src>

<mosaic_0001>
#map = affine_map<(d0, d1) -> (0, 0)>
#map1 = affine_map<(d0, d1) -> (0, 0, 0)>
module attributes {stable_mosaic.version = 14 : i64} {
  func.func @_body(%arg0: i32, %arg1: i32, %arg2: memref<1000000x64xf32, #tpu.memory_space<hbm>>, %arg3: memref<4096x200xi32, #tpu.memory_space<hbm>>, %arg4: memref<200x64xf32, #tpu.memory_space<hbm>>, %arg5: memref<4096x200x64xf32, #tpu.memory_space<hbm>>, %arg6: memref<2x2x200xi32, #tpu.memory_space<vmem>>, %arg7: memref<2x2x200x64xf32, #tpu.memory_space<vmem>>, %arg8: memref<2x200x64xf32, #tpu.memory_space<vmem_shared>>, %arg9: memref<2x!tpu.dma_semaphore, #tpu.memory_space<semaphore_mem>>, %arg10: memref<2x!tpu.dma_semaphore, #tpu.memory_space<semaphore_mem>>, %arg11: memref<2x!tpu.dma_semaphore, #tpu.memory_space<semaphore_mem>>) attributes {dimension_semantics = [#tpu.dimension_semantics<core_parallel>, #tpu.dimension_semantics<subcore_parallel>], iteration_bounds = array<i64: 2, 16>, scalar_prefetch = 0 : i64, scratch_operands = 6 : i64, tpu.core_type = #tpu.core_type<sc_vector_subcore>, window_params = [{transform_indices = #map}, {transform_indices = #map}, {transform_indices = #map}, {transform_indices = #map1}]} {
    %mul3A = arith.constant 2 : i32
    %mul3A_0 = arith.muli %arg1, %mul3A : i32
    %add3A = arith.addi %mul3A_0, %arg0 : i32
    %mul3A_1 = arith.constant 128 : i32
    %mul3A_2 = arith.muli %add3A, %mul3A_1 : i32
    %eq3A = arith.constant 0 : i32
    %eq3A_3 = arith.cmpi eq, %arg1, %eq3A : i32
    %convert_element_type3A = arith.extui %eq3A_3 : i1 to i32
    %cond3A = arith.constant 0 : i32
    %cond3A_4 = arith.cmpi ne, %convert_element_type3A, %cond3A : i32
    scf.if %cond3A_4 {
      %run_scoped3A_115 = arith.constant 0 : i32
      "tpu.region"() ({
        %run_scoped3A_117 = tpu.sem_alloc : memref<!tpu.dma_semaphore, #tpu.memory_space<semaphore_mem>>
        %dma_start3A_118 = arith.constant 0 : i32
        %dma_start3A_119 = arith.constant 0 : i32
        %dma_start3A_120 = tpu.memref_slice %arg8[%run_scoped3A_115, %dma_start3A_118, %dma_start3A_119] : memref<2x200x64xf32, #tpu.memory_space<vmem_shared>> -> memref<1x200x64xf32, #tpu.memory_space<vmem_shared>>
        %dma_start3A_121 = tpu.memref_squeeze %dma_start3A_120 : memref<1x200x64xf32, #tpu.memory_space<vmem_shared>> -> memref<200x64xf32, #tpu.memory_space<vmem_shared>>
        tpu.enqueue_dma source(%arg4 : memref<200x64xf32, #tpu.memory_space<hbm>>) target(%dma_start3A_121 : memref<200x64xf32, #tpu.memory_space<vmem_shared>>) target_semaphore(%run_scoped3A_117 : memref<!tpu.dma_semaphore, #tpu.memory_space<semaphore_mem>>)
        %dma_wait3A_122 = arith.constant 0 : i32
        %dma_wait3A_123 = arith.constant 0 : i32
        %dma_wait3A_124 = tpu.memref_slice %arg8[%run_scoped3A_115, %dma_wait3A_122, %dma_wait3A_123] : memref<2x200x64xf32, #tpu.memory_space<vmem_shared>> -> memref<1x200x64xf32, #tpu.memory_space<vmem_shared>>
        %dma_wait3A_125 = tpu.memref_squeeze %dma_wait3A_124 : memref<1x200x64xf32, #tpu.memory_space<vmem_shared>> -> memref<200x64xf32, #tpu.memory_space<vmem_shared>>
        tpu.wait_dma2 semaphore(%run_scoped3A_117 : memref<!tpu.dma_semaphore, #tpu.memory_space<semaphore_mem>>) src(%arg4 : memref<200x64xf32, #tpu.memory_space<hbm>>) dst(%dma_wait3A_125 : memref<200x64xf32, #tpu.memory_space<vmem_shared>>)
        tpu.yield
      }) : () -> ()
      %run_scoped3A_116 = arith.constant 1 : i32
      "tpu.region"() ({
        %run_scoped3A_117 = tpu.sem_alloc : memref<!tpu.dma_semaphore, #tpu.memory_space<semaphore_mem>>
        %dma_start3A_118 = arith.constant 0 : i32
        %dma_start3A_119 = arith.constant 0 : i32
        %dma_start3A_120 = tpu.memref_slice %arg8[%run_scoped3A_116, %dma_start3A_118, %dma_start3A_119] : memref<2x200x64xf32, #tpu.memory_space<vmem_shared>> -> memref<1x200x64xf32, #tpu.memory_space<vmem_shared>>
        %dma_start3A_121 = tpu.memref_squeeze %dma_start3A_120 : memref<1x200x64xf32, #tpu.memory_space<vmem_shared>> -> memref<200x64xf32, #tpu.memory_space<vmem_shared>>
        tpu.enqueue_dma source(%arg4 : memref<200x64xf32, #tpu.memory_space<hbm>>) target(%dma_start3A_121 : memref<200x64xf32, #tpu.memory_space<vmem_shared>>) target_semaphore(%run_scoped3A_117 : memref<!tpu.dma_semaphore, #tpu.memory_space<semaphore_mem>>)
        %dma_wait3A_122 = arith.constant 0 : i32
        %dma_wait3A_123 = arith.constant 0 : i32
        %dma_wait3A_124 = tpu.memref_slice %arg8[%run_scoped3A_116, %dma_wait3A_122, %dma_wait3A_123] : memref<2x200x64xf32, #tpu.memory_space<vmem_shared>> -> memref<1x200x64xf32, #tpu.memory_space<vmem_shared>>
        %dma_wait3A_125 = tpu.memref_squeeze %dma_wait3A_124 : memref<1x200x64xf32, #tpu.memory_space<vmem_shared>> -> memref<200x64xf32, #tpu.memory_space<vmem_shared>>
        tpu.wait_dma2 semaphore(%run_scoped3A_117 : memref<!tpu.dma_semaphore, #tpu.memory_space<semaphore_mem>>) src(%arg4 : memref<200x64xf32, #tpu.memory_space<hbm>>) dst(%dma_wait3A_125 : memref<200x64xf32, #tpu.memory_space<vmem_shared>>)
        tpu.yield
      }) : () -> ()
    } else {
    }
    %barrier3A = arith.constant 0 : index
    tpu.barrier barrier_id(%barrier3A)
    %add3A_5 = arith.constant 0 : i32
    %add3A_6 = arith.addi %mul3A_2, %add3A_5 : i32
    %run_scoped3A = arith.constant 0 : i32
    "tpu.region"() ({
      %run_scoped3A_115 = tpu.sem_alloc : memref<!tpu.dma_semaphore, #tpu.memory_space<semaphore_mem>>
      %dma_start3A_116 = arith.constant 0 : i32
      %dma_start3A_117 = arith.constant 0 : i32
      %dma_start3A_118 = tpu.memref_slice %arg6[%run_scoped3A, %dma_start3A_116, %dma_start3A_117] : memref<2x2x200xi32, #tpu.memory_space<vmem>> -> memref<1x2x200xi32, #tpu.memory_space<vmem>>
      %dma_start3A_119 = tpu.memref_squeeze %dma_start3A_118 : memref<1x2x200xi32, #tpu.memory_space<vmem>> -> memref<2x200xi32, #tpu.memory_space<vmem>>
      %dma_start3A_120 = arith.constant 0 : i32
      %dma_start3A_121 = tpu.memref_slice %arg3[%add3A_6, %dma_start3A_120] : memref<4096x200xi32, #tpu.memory_space<hbm>> -> memref<2x200xi32, #tpu.memory_space<hbm>>
      %dma_start3A_122 = arith.constant 0 : i32
      %dma_start3A_123 = arith.constant 0 : i32
      %dma_start3A_124 = tpu.memref_slice %arg6[%run_scoped3A, %dma_start3A_122, %dma_start3A_123] : memref<2x2x200xi32, #tpu.memory_space<vmem>> -> memref<1x2x200xi32, #tpu.memory_space<vmem>>
      %dma_start3A_125 = tpu.memref_squeeze %dma_start3A_124 : memref<1x2x200xi32, #tpu.memory_space<vmem>> -> memref<2x200xi32, #tpu.memory_space<vmem>>
      %dma_start3A_126 = arith.constant 0 : i32
      %dma_start3A_127 = tpu.memref_slice %arg3[%add3A_6, %dma_start3A_126] : memref<4096x200xi32, #tpu.memory_space<hbm>> -> memref<2x200xi32, #tpu.memory_space<hbm>>
      tpu.enqueue_dma source(%dma_start3A_127 : memref<2x200xi32, #tpu.memory_space<hbm>>) target(%dma_start3A_125 : memref<2x200xi32, #tpu.memory_space<vmem>>) target_semaphore(%run_scoped3A_115 : memref<!tpu.dma_semaphore, #tpu.memory_space<semaphore_mem>>)
      %dma_wait3A_128 = arith.constant 0 : i32
      %dma_wait3A_129 = arith.constant 0 : i32
      %dma_wait3A_130 = tpu.memref_slice %arg6[%run_scoped3A, %dma_wait3A_128, %dma_wait3A_129] : memref<2x2x200xi32, #tpu.memory_space<vmem>> -> memref<1x2x200xi32, #tpu.memory_space<vmem>>
      %dma_wait3A_131 = tpu.memref_squeeze %dma_wait3A_130 : memref<1x2x200xi32, #tpu.memory_space<vmem>> -> memref<2x200xi32, #tpu.memory_space<vmem>>
      %dma_wait3A_132 = arith.constant 0 : i32
      %dma_wait3A_133 = tpu.memref_slice %arg3[%add3A_6, %dma_wait3A_132] : memref<4096x200xi32, #tpu.memory_space<hbm>> -> memref<2x200xi32, #tpu.memory_space<hbm>>
      %dma_wait3A_134 = arith.constant 0 : i32
      %dma_wait3A_135 = arith.constant 0 : i32
      %dma_wait3A_136 = tpu.memref_slice %arg6[%run_scoped3A, %dma_wait3A_134, %dma_wait3A_135] : memref<2x2x200xi32, #tpu.memory_space<vmem>> -> memref<1x2x200xi32, #tpu.memory_space<vmem>>
      %dma_wait3A_137 = tpu.memref_squeeze %dma_wait3A_136 : memref<1x2x200xi32, #tpu.memory_space<vmem>> -> memref<2x200xi32, #tpu.memory_space<vmem>>
      %dma_wait3A_138 = arith.constant 0 : i32
      %dma_wait3A_139 = tpu.memref_slice %arg3[%add3A_6, %dma_wait3A_138] : memref<4096x200xi32, #tpu.memory_space<hbm>> -> memref<2x200xi32, #tpu.memory_space<hbm>>
      tpu.wait_dma2 semaphore(%run_scoped3A_115 : memref<!tpu.dma_semaphore, #tpu.memory_space<semaphore_mem>>) src(%dma_wait3A_139 : memref<2x200xi32, #tpu.memory_space<hbm>>) dst(%dma_wait3A_137 : memref<2x200xi32, #tpu.memory_space<vmem>>)
      tpu.yield
    }) : () -> ()
    %dma_start3A = arith.constant 0 : i32
    %dma_start3A_7 = arith.constant 0 : i32
    %dma_start3A_8 = arith.constant 0 : i32
    %dma_start3A_9 = arith.constant 0 : i32
    %dma_start3A_10 = arith.constant 0 : i32
    %dma_start3A_11 = tpu.memref_slice %arg7[%dma_start3A, %dma_start3A_8, %dma_start3A_9, %dma_start3A_10] : memref<2x2x200x64xf32, #tpu.memory_space<vmem>> -> memref<1x2x200x64xf32, #tpu.memory_space<vmem>>
    %dma_start3A_12 = tpu.memref_squeeze %dma_start3A_11 : memref<1x2x200x64xf32, #tpu.memory_space<vmem>> -> memref<2x200x64xf32, #tpu.memory_space<vmem>>
    %dma_start3A_13 = tpu.memref_slice %arg9[%dma_start3A_7] : memref<2x!tpu.dma_semaphore, #tpu.memory_space<semaphore_mem>> -> memref<1x!tpu.dma_semaphore, #tpu.memory_space<semaphore_mem>>
    %dma_start3A_14 = tpu.memref_squeeze %dma_start3A_13 : memref<1x!tpu.dma_semaphore, #tpu.memory_space<semaphore_mem>> -> memref<!tpu.dma_semaphore, #tpu.memory_space<semaphore_mem>>
    %dma_start3A_15 = arith.constant 0 : i32
    %dma_start3A_16 = arith.constant 0 : i32
    %dma_start3A_17 = arith.constant 0 : i32
    %dma_start3A_18 = tpu.memref_slice %arg7[%dma_start3A, %dma_start3A_15, %dma_start3A_16, %dma_start3A_17] : memref<2x2x200x64xf32, #tpu.memory_space<vmem>> -> memref<1x2x200x64xf32, #tpu.memory_space<vmem>>
    %dma_start3A_19 = tpu.memref_squeeze %dma_start3A_18 : memref<1x2x200x64xf32, #tpu.memory_space<vmem>> -> memref<2x200x64xf32, #tpu.memory_space<vmem>>
    tpu.enqueue_dma source(%arg8 : memref<2x200x64xf32, #tpu.memory_space<vmem_shared>>) target(%dma_start3A_19 : memref<2x200x64xf32, #tpu.memory_space<vmem>>) target_semaphore(%dma_start3A_14 : memref<!tpu.dma_semaphore, #tpu.memory_space<semaphore_mem>>)
    %dma_wait3A = arith.constant 0 : i32
    %dma_wait3A_20 = arith.constant 0 : i32
    %dma_wait3A_21 = arith.constant 0 : i32
    %dma_wait3A_22 = arith.constant 0 : i32
    %dma_wait3A_23 = arith.constant 0 : i32
    %dma_wait3A_24 = tpu.memref_slice %arg7[%dma_wait3A, %dma_wait3A_21, %dma_wait3A_22, %dma_wait3A_23] : memref<2x2x200x64xf32, #tpu.memory_space<vmem>> -> memref<1x2x200x64xf32, #tpu.memory_space<vmem>>
    %dma_wait3A_25 = tpu.memref_squeeze %dma_wait3A_24 : memref<1x2x200x64xf32, #tpu.memory_space<vmem>> -> memref<2x200x64xf32, #tpu.memory_space<vmem>>
    %dma_wait3A_26 = tpu.memref_slice %arg9[%dma_wait3A_20] : memref<2x!tpu.dma_semaphore, #tpu.memory_space<semaphore_mem>> -> memref<1x!tpu.dma_semaphore, #tpu.memory_space<semaphore_mem>>
    %dma_wait3A_27 = tpu.memref_squeeze %dma_wait3A_26 : memref<1x!tpu.dma_semaphore, #tpu.memory_space<semaphore_mem>> -> memref<!tpu.dma_semaphore, #tpu.memory_space<semaphore_mem>>
    %dma_wait3A_28 = arith.constant 0 : i32
    %dma_wait3A_29 = arith.constant 0 : i32
    %dma_wait3A_30 = arith.constant 0 : i32
    %dma_wait3A_31 = tpu.memref_slice %arg7[%dma_wait3A, %dma_wait3A_28, %dma_wait3A_29, %dma_wait3A_30] : memref<2x2x200x64xf32, #tpu.memory_space<vmem>> -> memref<1x2x200x64xf32, #tpu.memory_space<vmem>>
    %dma_wait3A_32 = tpu.memref_squeeze %dma_wait3A_31 : memref<1x2x200x64xf32, #tpu.memory_space<vmem>> -> memref<2x200x64xf32, #tpu.memory_space<vmem>>
    tpu.wait_dma2 semaphore(%dma_wait3A_27 : memref<!tpu.dma_semaphore, #tpu.memory_space<semaphore_mem>>) src(%arg8 : memref<2x200x64xf32, #tpu.memory_space<vmem_shared>>) dst(%dma_wait3A_32 : memref<2x200x64xf32, #tpu.memory_space<vmem>>)
    %dma_start3A_33 = arith.constant 0 : i32
    %dma_start3A_34 = arith.constant 0 : i32
    %dma_start3A_35 = arith.constant 0 : i32
    %dma_start3A_36 = arith.constant 0 : i32
    %dma_start3A_37 = arith.constant 0 : i32
    %dma_start3A_38 = arith.constant 0 : i32
    %dma_start3A_39 = arith.constant 0 : i32
    %dma_start3A_40 = tpu.memref_slice %arg7[%dma_start3A_35, %dma_start3A_36, %dma_start3A_38, %dma_start3A_39] : memref<2x2x200x64xf32, #tpu.memory_space<vmem>> -> memref<1x1x200x64xf32, #tpu.memory_space<vmem>>
    %dma_start3A_41 = tpu.memref_squeeze %dma_start3A_40 : memref<1x1x200x64xf32, #tpu.memory_space<vmem>> -> memref<200x64xf32, #tpu.memory_space<vmem>>
    %dma_start3A_42 = arith.constant 0 : i32
    %dma_start3A_43 = tpu.memref_slice %arg6[%dma_start3A_33, %dma_start3A_34, %dma_start3A_42] : memref<2x2x200xi32, #tpu.memory_space<vmem>> -> memref<1x1x200xi32, #tpu.memory_space<vmem>>
    %dma_start3A_44 = tpu.memref_squeeze %dma_start3A_43 : memref<1x1x200xi32, #tpu.memory_space<vmem>> -> memref<200xi32, #tpu.memory_space<vmem>>
    %dma_start3A_45 = arith.constant 0 : i32
    %dma_start3A_46 = arith.constant 0 : i32
    %dma_start3A_47 = tpu.memref_slice %arg2[%dma_start3A_45, %dma_start3A_46] : memref<1000000x64xf32, #tpu.memory_space<hbm>> -> memref<1000000x64xf32, #tpu.memory_space<hbm>>
    %dma_start3A_48 = tpu.memref_slice %arg10[%dma_start3A_37] : memref<2x!tpu.dma_semaphore, #tpu.memory_space<semaphore_mem>> -> memref<1x!tpu.dma_semaphore, #tpu.memory_space<semaphore_mem>>
    %dma_start3A_49 = tpu.memref_squeeze %dma_start3A_48 : memref<1x!tpu.dma_semaphore, #tpu.memory_space<semaphore_mem>> -> memref<!tpu.dma_semaphore, #tpu.memory_space<semaphore_mem>>
    tpu.enqueue_indirect_dma source(%dma_start3A_47 : memref<1000000x64xf32, #tpu.memory_space<hbm>>) target(%dma_start3A_41 : memref<200x64xf32, #tpu.memory_space<vmem>>) offsets(%dma_start3A_44 : memref<200xi32, #tpu.memory_space<vmem>>) semaphore(%dma_start3A_49 : memref<!tpu.dma_semaphore, #tpu.memory_space<semaphore_mem>>) {add = true}
    %dma_start3A_50 = arith.constant 0 : i32
    %dma_start3A_51 = arith.constant 1 : i32
    %dma_start3A_52 = arith.constant 0 : i32
    %dma_start3A_53 = arith.constant 1 : i32
    %dma_start3A_54 = arith.constant 0 : i32
    %dma_start3A_55 = arith.constant 0 : i32
    %dma_start3A_56 = arith.constant 0 : i32
    %dma_start3A_57 = tpu.memref_slice %arg7[%dma_start3A_52, %dma_start3A_53, %dma_start3A_55, %dma_start3A_56] : memref<2x2x200x64xf32, #tpu.memory_space<vmem>> -> memref<1x1x200x64xf32, #tpu.memory_space<vmem>>
    %dma_start3A_58 = tpu.memref_squeeze %dma_start3A_57 : memref<1x1x200x64xf32, #tpu.memory_space<vmem>> -> memref<200x64xf32, #tpu.memory_space<vmem>>
    %dma_start3A_59 = arith.constant 0 : i32
    %dma_start3A_60 = tpu.memref_slice %arg6[%dma_start3A_50, %dma_start3A_51, %dma_start3A_59] : memref<2x2x200xi32, #tpu.memory_space<vmem>> -> memref<1x1x200xi32, #tpu.memory_space<vmem>>
    %dma_start3A_61 = tpu.memref_squeeze %dma_start3A_60 : memref<1x1x200xi32, #tpu.memory_space<vmem>> -> memref<200xi32, #tpu.memory_space<vmem>>
    %dma_start3A_62 = arith.constant 0 : i32
    %dma_start3A_63 = arith.constant 0 : i32
    %dma_start3A_64 = tpu.memref_slice %arg2[%dma_start3A_62, %dma_start3A_63] : memref<1000000x64xf32, #tpu.memory_space<hbm>> -> memref<1000000x64xf32, #tpu.memory_space<hbm>>
    %dma_start3A_65 = tpu.memref_slice %arg10[%dma_start3A_54] : memref<2x!tpu.dma_semaphore, #tpu.memory_space<semaphore_mem>> -> memref<1x!tpu.dma_semaphore, #tpu.memory_space<semaphore_mem>>
    %dma_start3A_66 = tpu.memref_squeeze %dma_start3A_65 : memref<1x!tpu.dma_semaphore, #tpu.memory_space<semaphore_mem>> -> memref<!tpu.dma_semaphore, #tpu.memory_space<semaphore_mem>>
    tpu.enqueue_indirect_dma source(%dma_start3A_64 : memref<1000000x64xf32, #tpu.memory_space<hbm>>) target(%dma_start3A_58 : memref<200x64xf32, #tpu.memory_space<vmem>>) offsets(%dma_start3A_61 : memref<200xi32, #tpu.memory_space<vmem>>) semaphore(%dma_start3A_66 : memref<!tpu.dma_semaphore, #tpu.memory_space<semaphore_mem>>) {add = true}
    %scan3A = arith.constant 0 : i32
    %scan3A_67 = arith.constant 64 : i32
    %scan3A_68 = arith.addi %scan3A, %scan3A_67 : i32
    %scan3A_69 = arith.constant 1 : i32
    scf.for %scan3A_115 = %scan3A to %scan3A_68 step %scan3A_69  : i32 {
      %rem3A = arith.constant 2 : i32
      %rem3A_116 = arith.remsi %scan3A_115, %rem3A : i32
      %sub3A = arith.constant 1 : i32
      %sub3A_117 = arith.subi %sub3A, %rem3A_116 : i32
      %add3A_118 = arith.constant 1 : i32
      %add3A_119 = arith.addi %scan3A_115, %add3A_118 : i32
      %lt3A = arith.constant 64 : i32
      %lt3A_120 = arith.cmpi slt, %add3A_119, %lt3A : i32
      %convert_element_type3A_121 = arith.extui %lt3A_120 : i1 to i32
      %cond3A_122 = arith.constant 0 : i32
      %cond3A_123 = arith.cmpi ne, %convert_element_type3A_121, %cond3A_122 : i32
      scf.if %cond3A_123 {
        %ge3A = arith.constant 1 : i32
        %ge3A_173 = arith.cmpi sge, %scan3A_115, %ge3A : i32
        %convert_element_type3A_174 = arith.extui %ge3A_173 : i1 to i32
        %cond3A_175 = arith.constant 0 : i32
        %cond3A_176 = arith.cmpi ne, %convert_element_type3A_174, %cond3A_175 : i32
        scf.if %cond3A_176 {
          %dma_wait3A_234 = arith.constant 0 : i32
          %dma_wait3A_235 = arith.constant 0 : i32
          %dma_wait3A_236 = arith.constant 0 : i32
          %dma_wait3A_237 = tpu.memref_slice %arg7[%sub3A_117, %dma_wait3A_234, %dma_wait3A_235, %dma_wait3A_236] : memref<2x2x200x64xf32, #tpu.memory_space<vmem>> -> memref<1x2x200x64xf32, #tpu.memory_space<vmem>>
          %dma_wait3A_238 = tpu.memref_squeeze %dma_wait3A_237 : memref<1x2x200x64xf32, #tpu.memory_space<vmem>> -> memref<2x200x64xf32, #tpu.memory_space<vmem>>
          %dma_wait3A_239 = arith.constant 0 : i32
          %dma_wait3A_240 = arith.constant 0 : i32
          %dma_wait3A_241 = arith.constant 0 : i32
          %dma_wait3A_242 = tpu.memref_slice %arg5[%dma_wait3A_239, %dma_wait3A_240, %dma_wait3A_241] : memref<4096x200x64xf32, #tpu.memory_space<hbm>> -> memref<2x200x64xf32, #tpu.memory_space<hbm>>
          %dma_wait3A_243 = tpu.memref_slice %arg11[%sub3A_117] : memref<2x!tpu.dma_semaphore, #tpu.memory_space<semaphore_mem>> -> memref<1x!tpu.dma_semaphore, #tpu.memory_space<semaphore_mem>>
          %dma_wait3A_244 = tpu.memref_squeeze %dma_wait3A_243 : memref<1x!tpu.dma_semaphore, #tpu.memory_space<semaphore_mem>> -> memref<!tpu.dma_semaphore, #tpu.memory_space<semaphore_mem>>
          %dma_wait3A_245 = arith.constant 0 : i32
          %dma_wait3A_246 = arith.constant 0 : i32
          %dma_wait3A_247 = arith.constant 0 : i32
          %dma_wait3A_248 = tpu.memref_slice %arg5[%dma_wait3A_245, %dma_wait3A_246, %dma_wait3A_247] : memref<4096x200x64xf32, #tpu.memory_space<hbm>> -> memref<2x200x64xf32, #tpu.memory_space<hbm>>
          %dma_wait3A_249 = arith.constant 0 : i32
          %dma_wait3A_250 = arith.constant 0 : i32
          %dma_wait3A_251 = arith.constant 0 : i32
          %dma_wait3A_252 = tpu.memref_slice %arg7[%sub3A_117, %dma_wait3A_249, %dma_wait3A_250, %dma_wait3A_251] : memref<2x2x200x64xf32, #tpu.memory_space<vmem>> -> memref<1x2x200x64xf32, #tpu.memory_space<vmem>>
          %dma_wait3A_253 = tpu.memref_squeeze %dma_wait3A_252 : memref<1x2x200x64xf32, #tpu.memory_space<vmem>> -> memref<2x200x64xf32, #tpu.memory_space<vmem>>
          tpu.wait_dma2 semaphore(%dma_wait3A_244 : memref<!tpu.dma_semaphore, #tpu.memory_space<semaphore_mem>>) src(%dma_wait3A_253 : memref<2x200x64xf32, #tpu.memory_space<vmem>>) dst(%dma_wait3A_248 : memref<2x200x64xf32, #tpu.memory_space<hbm>>)
        } else {
        }
        %add3A_177 = arith.constant 1 : i32
        %add3A_178 = arith.addi %scan3A_115, %add3A_177 : i32
        %mul3A_179 = arith.constant 2 : i32
        %mul3A_180 = arith.muli %add3A_178, %mul3A_179 : i32
        %add3A_181 = arith.addi %mul3A_2, %mul3A_180 : i32
        "tpu.region"() ({
          %run_scoped3A_234 = tpu.sem_alloc : memref<!tpu.dma_semaphore, #tpu.memory_space<semaphore_mem>>
          %dma_start3A_235 = arith.constant 0 : i32
          %dma_start3A_236 = arith.constant 0 : i32
          %dma_start3A_237 = tpu.memref_slice %arg6[%sub3A_117, %dma_start3A_235, %dma_start3A_236] : memref<2x2x200xi32, #tpu.memory_space<vmem>> -> memref<1x2x200xi32, #tpu.memory_space<vmem>>
          %dma_start3A_238 = tpu.memref_squeeze %dma_start3A_237 : memref<1x2x200xi32, #tpu.memory_space<vmem>> -> memref<2x200xi32, #tpu.memory_space<vmem>>
          %dma_start3A_239 = arith.constant 0 : i32
          %dma_start3A_240 = tpu.memref_slice %arg3[%add3A_181, %dma_start3A_239] : memref<4096x200xi32, #tpu.memory_space<hbm>> -> memref<2x200xi32, #tpu.memory_space<hbm>>
          %dma_start3A_241 = arith.constant 0 : i32
          %dma_start3A_242 = arith.constant 0 : i32
          %dma_start3A_243 = tpu.memref_slice %arg6[%sub3A_117, %dma_start3A_241, %dma_start3A_242] : memref<2x2x200xi32, #tpu.memory_space<vmem>> -> memref<1x2x200xi32, #tpu.memory_space<vmem>>
          %dma_start3A_244 = tpu.memref_squeeze %dma_start3A_243 : memref<1x2x200xi32, #tpu.memory_space<vmem>> -> memref<2x200xi32, #tpu.memory_space<vmem>>
          %dma_start3A_245 = arith.constant 0 : i32
          %dma_start3A_246 = tpu.memref_slice %arg3[%add3A_181, %dma_start3A_245] : memref<4096x200xi32, #tpu.memory_space<hbm>> -> memref<2x200xi32, #tpu.memory_space<hbm>>
          tpu.enqueue_dma source(%dma_start3A_246 : memref<2x200xi32, #tpu.memory_space<hbm>>) target(%dma_start3A_244 : memref<2x200xi32, #tpu.memory_space<vmem>>) target_semaphore(%run_scoped3A_234 : memref<!tpu.dma_semaphore, #tpu.memory_space<semaphore_mem>>)
          %dma_wait3A_247 = arith.constant 0 : i32
          %dma_wait3A_248 = arith.constant 0 : i32
          %dma_wait3A_249 = tpu.memref_slice %arg6[%sub3A_117, %dma_wait3A_247, %dma_wait3A_248] : memref<2x2x200xi32, #tpu.memory_space<vmem>> -> memref<1x2x200xi32, #tpu.memory_space<vmem>>
          %dma_wait3A_250 = tpu.memref_squeeze %dma_wait3A_249 : memref<1x2x200xi32, #tpu.memory_space<vmem>> -> memref<2x200xi32, #tpu.memory_space<vmem>>
          %dma_wait3A_251 = arith.constant 0 : i32
          %dma_wait3A_252 = tpu.memref_slice %arg3[%add3A_181, %dma_wait3A_251] : memref<4096x200xi32, #tpu.memory_space<hbm>> -> memref<2x200xi32, #tpu.memory_space<hbm>>
          %dma_wait3A_253 = arith.constant 0 : i32
          %dma_wait3A_254 = arith.constant 0 : i32
          %dma_wait3A_255 = tpu.memref_slice %arg6[%sub3A_117, %dma_wait3A_253, %dma_wait3A_254] : memref<2x2x200xi32, #tpu.memory_space<vmem>> -> memref<1x2x200xi32, #tpu.memory_space<vmem>>
          %dma_wait3A_256 = tpu.memref_squeeze %dma_wait3A_255 : memref<1x2x200xi32, #tpu.memory_space<vmem>> -> memref<2x200xi32, #tpu.memory_space<vmem>>
          %dma_wait3A_257 = arith.constant 0 : i32
          %dma_wait3A_258 = tpu.memref_slice %arg3[%add3A_181, %dma_wait3A_257] : memref<4096x200xi32, #tpu.memory_space<hbm>> -> memref<2x200xi32, #tpu.memory_space<hbm>>
          tpu.wait_dma2 semaphore(%run_scoped3A_234 : memref<!tpu.dma_semaphore, #tpu.memory_space<semaphore_mem>>) src(%dma_wait3A_258 : memref<2x200xi32, #tpu.memory_space<hbm>>) dst(%dma_wait3A_256 : memref<2x200xi32, #tpu.memory_space<vmem>>)
          tpu.yield
        }) : () -> ()
        %dma_start3A_182 = arith.constant 0 : i32
        %dma_start3A_183 = arith.constant 0 : i32
        %dma_start3A_184 = arith.constant 0 : i32
        %dma_start3A_185 = tpu.memref_slice %arg7[%sub3A_117, %dma_start3A_182, %dma_start3A_183, %dma_start3A_184] : memref<2x2x200x64xf32, #tpu.memory_space<vmem>> -> memref<1x2x200x64xf32, #tpu.memory_space<vmem>>
        %dma_start3A_186 = tpu.memref_squeeze %dma_start3A_185 : memref<1x2x200x64xf32, #tpu.memory_space<vmem>> -> memref<2x200x64xf32, #tpu.memory_space<vmem>>
        %dma_start3A_187 = tpu.memref_slice %arg9[%sub3A_117] : memref<2x!tpu.dma_semaphore, #tpu.memory_space<semaphore_mem>> -> memref<1x!tpu.dma_semaphore, #tpu.memory_space<semaphore_mem>>
        %dma_start3A_188 = tpu.memref_squeeze %dma_start3A_187 : memref<1x!tpu.dma_semaphore, #tpu.memory_space<semaphore_mem>> -> memref<!tpu.dma_semaphore, #tpu.memory_space<semaphore_mem>>
        %dma_start3A_189 = arith.constant 0 : i32
        %dma_start3A_190 = arith.constant 0 : i32
        %dma_start3A_191 = arith.constant 0 : i32
        %dma_start3A_192 = tpu.memref_slice %arg7[%sub3A_117, %dma_start3A_189, %dma_start3A_190, %dma_start3A_191] : memref<2x2x200x64xf32, #tpu.memory_space<vmem>> -> memref<1x2x200x64xf32, #tpu.memory_space<vmem>>
        %dma_start3A_193 = tpu.memref_squeeze %dma_start3A_192 : memref<1x2x200x64xf32, #tpu.memory_space<vmem>> -> memref<2x200x64xf32, #tpu.memory_space<vmem>>
        tpu.enqueue_dma source(%arg8 : memref<2x200x64xf32, #tpu.memory_space<vmem_shared>>) target(%dma_start3A_193 : memref<2x200x64xf32, #tpu.memory_space<vmem>>) target_semaphore(%dma_start3A_188 : memref<!tpu.dma_semaphore, #tpu.memory_space<semaphore_mem>>)
        %dma_wait3A_194 = arith.constant 0 : i32
        %dma_wait3A_195 = arith.constant 0 : i32
        %dma_wait3A_196 = arith.constant 0 : i32
        %dma_wait3A_197 = tpu.memref_slice %arg7[%sub3A_117, %dma_wait3A_194, %dma_wait3A_195, %dma_wait3A_196] : memref<2x2x200x64xf32, #tpu.memory_space<vmem>> -> memref<1x2x200x64xf32, #tpu.memory_space<vmem>>
        %dma_wait3A_198 = tpu.memref_squeeze %dma_wait3A_197 : memref<1x2x200x64xf32, #tpu.memory_space<vmem>> -> memref<2x200x64xf32, #tpu.memory_space<vmem>>
        %dma_wait3A_199 = tpu.memref_slice %arg9[%sub3A_117] : memref<2x!tpu.dma_semaphore, #tpu.memory_space<semaphore_mem>> -> memref<1x!tpu.dma_semaphore, #tpu.memory_space<semaphore_mem>>
        %dma_wait3A_200 = tpu.memref_squeeze %dma_wait3A_199 : memref<1x!tpu.dma_semaphore, #tpu.memory_space<semaphore_mem>> -> memref<!tpu.dma_semaphore, #tpu.memory_space<semaphore_mem>>
        %dma_wait3A_201 = arith.constant 0 : i32
        %dma_wait3A_202 = arith.constant 0 : i32
        %dma_wait3A_203 = arith.constant 0 : i32
        %dma_wait3A_204 = tpu.memref_slice %arg7[%sub3A_117, %dma_wait3A_201, %dma_wait3A_202, %dma_wait3A_203] : memref<2x2x200x64xf32, #tpu.memory_space<vmem>> -> memref<1x2x200x64xf32, #tpu.memory_space<vmem>>
        %dma_wait3A_205 = tpu.memref_squeeze %dma_wait3A_204 : memref<1x2x200x64xf32, #tpu.memory_space<vmem>> -> memref<2x200x64xf32, #tpu.memory_space<vmem>>
        tpu.wait_dma2 semaphore(%dma_wait3A_200 : memref<!tpu.dma_semaphore, #tpu.memory_space<semaphore_mem>>) src(%arg8 : memref<2x200x64xf32, #tpu.memory_space<vmem_shared>>) dst(%dma_wait3A_205 : memref<2x200x64xf32, #tpu.memory_space<vmem>>)
        %dma_start3A_206 = arith.constant 0 : i32
        %dma_start3A_207 = arith.constant 0 : i32
        %dma_start3A_208 = arith.constant 0 : i32
        %dma_start3A_209 = arith.constant 0 : i32
        %dma_start3A_210 = tpu.memref_slice %arg7[%sub3A_117, %dma_start3A_207, %dma_start3A_208, %dma_start3A_209] : memref<2x2x200x64xf32, #tpu.memory_space<vmem>> -> memref<1x1x200x64xf32, #tpu.memory_space<vmem>>
        %dma_start3A_211 = tpu.memref_squeeze %dma_start3A_210 : memref<1x1x200x64xf32, #tpu.memory_space<vmem>> -> memref<200x64xf32, #tpu.memory_space<vmem>>
        %dma_start3A_212 = arith.constant 0 : i32
        %dma_start3A_213 = tpu.memref_slice %arg6[%sub3A_117, %dma_start3A_206, %dma_start3A_212] : memref<2x2x200xi32, #tpu.memory_space<vmem>> -> memref<1x1x200xi32, #tpu.memory_space<vmem>>
        %dma_start3A_214 = tpu.memref_squeeze %dma_start3A_213 : memref<1x1x200xi32, #tpu.memory_space<vmem>> -> memref<200xi32, #tpu.memory_space<vmem>>
        %dma_start3A_215 = arith.constant 0 : i32
        %dma_start3A_216 = arith.constant 0 : i32
        %dma_start3A_217 = tpu.memref_slice %arg2[%dma_start3A_215, %dma_start3A_216] : memref<1000000x64xf32, #tpu.memory_space<hbm>> -> memref<1000000x64xf32, #tpu.memory_space<hbm>>
        %dma_start3A_218 = tpu.memref_slice %arg10[%sub3A_117] : memref<2x!tpu.dma_semaphore, #tpu.memory_space<semaphore_mem>> -> memref<1x!tpu.dma_semaphore, #tpu.memory_space<semaphore_mem>>
        %dma_start3A_219 = tpu.memref_squeeze %dma_start3A_218 : memref<1x!tpu.dma_semaphore, #tpu.memory_space<semaphore_mem>> -> memref<!tpu.dma_semaphore, #tpu.memory_space<semaphore_mem>>
        tpu.enqueue_indirect_dma source(%dma_start3A_217 : memref<1000000x64xf32, #tpu.memory_space<hbm>>) target(%dma_start3A_211 : memref<200x64xf32, #tpu.memory_space<vmem>>) offsets(%dma_start3A_214 : memref<200xi32, #tpu.memory_space<vmem>>) semaphore(%dma_start3A_219 : memref<!tpu.dma_semaphore, #tpu.memory_space<semaphore_mem>>) {add = true}
        %dma_start3A_220 = arith.constant 1 : i32
        %dma_start3A_221 = arith.constant 1 : i32
        %dma_start3A_222 = arith.constant 0 : i32
        %dma_start3A_223 = arith.constant 0 : i32
        %dma_start3A_224 = tpu.memref_slice %arg7[%sub3A_117, %dma_start3A_221, %dma_start3A_222, %dma_start3A_223] : memref<2x2x200x64xf32, #tpu.memory_space<vmem>> -> memref<1x1x200x64xf32, #tpu.memory_space<vmem>>
        %dma_start3A_225 = tpu.memref_squeeze %dma_start3A_224 : memref<1x1x200x64xf32, #tpu.memory_space<vmem>> -> memref<200x64xf32, #tpu.memory_space<vmem>>
        %dma_start3A_226 = arith.constant 0 : i32
        %dma_start3A_227 = tpu.memref_slice %arg6[%sub3A_117, %dma_start3A_220, %dma_start3A_226] : memref<2x2x200xi32, #tpu.memory_space<vmem>> -> memref<1x1x200xi32, #tpu.memory_space<vmem>>
        %dma_start3A_228 = tpu.memref_squeeze %dma_start3A_227 : memref<1x1x200xi32, #tpu.memory_space<vmem>> -> memref<200xi32, #tpu.memory_space<vmem>>
        %dma_start3A_229 = arith.constant 0 : i32
        %dma_start3A_230 = arith.constant 0 : i32
        %dma_start3A_231 = tpu.memref_slice %arg2[%dma_start3A_229, %dma_start3A_230] : memref<1000000x64xf32, #tpu.memory_space<hbm>> -> memref<1000000x64xf32, #tpu.memory_space<hbm>>
        %dma_start3A_232 = tpu.memref_slice %arg10[%sub3A_117] : memref<2x!tpu.dma_semaphore, #tpu.memory_space<semaphore_mem>> -> memref<1x!tpu.dma_semaphore, #tpu.memory_space<semaphore_mem>>
        %dma_start3A_233 = tpu.memref_squeeze %dma_start3A_232 : memref<1x!tpu.dma_semaphore, #tpu.memory_space<semaphore_mem>> -> memref<!tpu.dma_semaphore, #tpu.memory_space<semaphore_mem>>
        tpu.enqueue_indirect_dma source(%dma_start3A_231 : memref<1000000x64xf32, #tpu.memory_space<hbm>>) target(%dma_start3A_225 : memref<200x64xf32, #tpu.memory_space<vmem>>) offsets(%dma_start3A_228 : memref<200xi32, #tpu.memory_space<vmem>>) semaphore(%dma_start3A_233 : memref<!tpu.dma_semaphore, #tpu.memory_space<semaphore_mem>>) {add = true}
      } else {
      }
      %dma_wait3A_124 = arith.constant 0 : i32
      %dma_wait3A_125 = arith.constant 0 : i32
      %dma_wait3A_126 = arith.constant 0 : i32
      %dma_wait3A_127 = arith.constant 0 : i32
      %dma_wait3A_128 = tpu.memref_slice %arg7[%rem3A_116, %dma_wait3A_125, %dma_wait3A_126, %dma_wait3A_127] : memref<2x2x200x64xf32, #tpu.memory_space<vmem>> -> memref<1x1x200x64xf32, #tpu.memory_space<vmem>>
      %dma_wait3A_129 = tpu.memref_squeeze %dma_wait3A_128 : memref<1x1x200x64xf32, #tpu.memory_space<vmem>> -> memref<200x64xf32, #tpu.memory_space<vmem>>
      %dma_wait3A_130 = arith.constant 0 : i32
      %dma_wait3A_131 = tpu.memref_slice %arg6[%rem3A_116, %dma_wait3A_124, %dma_wait3A_130] : memref<2x2x200xi32, #tpu.memory_space<vmem>> -> memref<1x1x200xi32, #tpu.memory_space<vmem>>
      %dma_wait3A_132 = tpu.memref_squeeze %dma_wait3A_131 : memref<1x1x200xi32, #tpu.memory_space<vmem>> -> memref<200xi32, #tpu.memory_space<vmem>>
      %dma_wait3A_133 = arith.constant 0 : i32
      %dma_wait3A_134 = arith.constant 0 : i32
      %dma_wait3A_135 = tpu.memref_slice %arg2[%dma_wait3A_133, %dma_wait3A_134] : memref<1000000x64xf32, #tpu.memory_space<hbm>> -> memref<1000000x64xf32, #tpu.memory_space<hbm>>
      %dma_wait3A_136 = tpu.memref_slice %arg10[%rem3A_116] : memref<2x!tpu.dma_semaphore, #tpu.memory_space<semaphore_mem>> -> memref<1x!tpu.dma_semaphore, #tpu.memory_space<semaphore_mem>>
      %dma_wait3A_137 = tpu.memref_squeeze %dma_wait3A_136 : memref<1x!tpu.dma_semaphore, #tpu.memory_space<semaphore_mem>> -> memref<!tpu.dma_semaphore, #tpu.memory_space<semaphore_mem>>
      tpu.wait_indirect_dma semaphore(%dma_wait3A_137 : memref<!tpu.dma_semaphore, #tpu.memory_space<semaphore_mem>>) src(%dma_wait3A_135 : memref<1000000x64xf32, #tpu.memory_space<hbm>>) dst(%dma_wait3A_129 : memref<200x64xf32, #tpu.memory_space<vmem>>)
      %dma_wait3A_138 = arith.constant 1 : i32
      %dma_wait3A_139 = arith.constant 1 : i32
      %dma_wait3A_140 = arith.constant 0 : i32
      %dma_wait3A_141 = arith.constant 0 : i32
      %dma_wait3A_142 = tpu.memref_slice %arg7[%rem3A_116, %dma_wait3A_139, %dma_wait3A_140, %dma_wait3A_141] : memref<2x2x200x64xf32, #tpu.memory_space<vmem>> -> memref<1x1x200x64xf32, #tpu.memory_space<vmem>>
      %dma_wait3A_143 = tpu.memref_squeeze %dma_wait3A_142 : memref<1x1x200x64xf32, #tpu.memory_space<vmem>> -> memref<200x64xf32, #tpu.memory_space<vmem>>
      %dma_wait3A_144 = arith.constant 0 : i32
      %dma_wait3A_145 = tpu.memref_slice %arg6[%rem3A_116, %dma_wait3A_138, %dma_wait3A_144] : memref<2x2x200xi32, #tpu.memory_space<vmem>> -> memref<1x1x200xi32, #tpu.memory_space<vmem>>
      %dma_wait3A_146 = tpu.memref_squeeze %dma_wait3A_145 : memref<1x1x200xi32, #tpu.memory_space<vmem>> -> memref<200xi32, #tpu.memory_space<vmem>>
      %dma_wait3A_147 = arith.constant 0 : i32
      %dma_wait3A_148 = arith.constant 0 : i32
      %dma_wait3A_149 = tpu.memref_slice %arg2[%dma_wait3A_147, %dma_wait3A_148] : memref<1000000x64xf32, #tpu.memory_space<hbm>> -> memref<1000000x64xf32, #tpu.memory_space<hbm>>
      %dma_wait3A_150 = tpu.memref_slice %arg10[%rem3A_116] : memref<2x!tpu.dma_semaphore, #tpu.memory_space<semaphore_mem>> -> memref<1x!tpu.dma_semaphore, #tpu.memory_space<semaphore_mem>>
      %dma_wait3A_151 = tpu.memref_squeeze %dma_wait3A_150 : memref<1x!tpu.dma_semaphore, #tpu.memory_space<semaphore_mem>> -> memref<!tpu.dma_semaphore, #tpu.memory_space<semaphore_mem>>
      tpu.wait_indirect_dma semaphore(%dma_wait3A_151 : memref<!tpu.dma_semaphore, #tpu.memory_space<semaphore_mem>>) src(%dma_wait3A_149 : memref<1000000x64xf32, #tpu.memory_space<hbm>>) dst(%dma_wait3A_143 : memref<200x64xf32, #tpu.memory_space<vmem>>)
      %mul3A_152 = arith.constant 2 : i32
      %mul3A_153 = arith.muli %scan3A_115, %mul3A_152 : i32
      %add3A_154 = arith.addi %mul3A_2, %mul3A_153 : i32
      %dma_start3A_155 = arith.constant 0 : i32
      %dma_start3A_156 = arith.constant 0 : i32
      %dma_start3A_157 = arith.constant 0 : i32
      %dma_start3A_158 = tpu.memref_slice %arg7[%rem3A_116, %dma_start3A_155, %dma_start3A_156, %dma_start3A_157] : memref<2x2x200x64xf32, #tpu.memory_space<vmem>> -> memref<1x2x200x64xf32, #tpu.memory_space<vmem>>
      %dma_start3A_159 = tpu.memref_squeeze %dma_start3A_158 : memref<1x2x200x64xf32, #tpu.memory_space<vmem>> -> memref<2x200x64xf32, #tpu.memory_space<vmem>>
      %dma_start3A_160 = arith.constant 0 : i32
      %dma_start3A_161 = arith.constant 0 : i32
      %dma_start3A_162 = tpu.memref_slice %arg5[%add3A_154, %dma_start3A_160, %dma_start3A_161] : memref<4096x200x64xf32, #tpu.memory_space<hbm>> -> memref<2x200x64xf32, #tpu.memory_space<hbm>>
      %dma_start3A_163 = tpu.memref_slice %arg11[%rem3A_116] : memref<2x!tpu.dma_semaphore, #tpu.memory_space<semaphore_mem>> -> memref<1x!tpu.dma_semaphore, #tpu.memory_space<semaphore_mem>>
      %dma_start3A_164 = tpu.memref_squeeze %dma_start3A_163 : memref<1x!tpu.dma_semaphore, #tpu.memory_space<semaphore_mem>> -> memref<!tpu.dma_semaphore, #tpu.memory_space<semaphore_mem>>
      %dma_start3A_165 = arith.constant 0 : i32
      %dma_start3A_166 = arith.constant 0 : i32
      %dma_start3A_167 = tpu.memref_slice %arg5[%add3A_154, %dma_start3A_165, %dma_start3A_166] : memref<4096x200x64xf32, #tpu.memory_space<hbm>> -> memref<2x200x64xf32, #tpu.memory_space<hbm>>
      %dma_start3A_168 = arith.constant 0 : i32
      %dma_start3A_169 = arith.constant 0 : i32
      %dma_start3A_170 = arith.constant 0 : i32
      %dma_start3A_171 = tpu.memref_slice %arg7[%rem3A_116, %dma_start3A_168, %dma_start3A_169, %dma_start3A_170] : memref<2x2x200x64xf32, #tpu.memory_space<vmem>> -> memref<1x2x200x64xf32, #tpu.memory_space<vmem>>
      %dma_start3A_172 = tpu.memref_squeeze %dma_start3A_171 : memref<1x2x200x64xf32, #tpu.memory_space<vmem>> -> memref<2x200x64xf32, #tpu.memory_space<vmem>>
      tpu.enqueue_dma source(%dma_start3A_172 : memref<2x200x64xf32, #tpu.memory_space<vmem>>) target(%dma_start3A_167 : memref<2x200x64xf32, #tpu.memory_space<hbm>>) target_semaphore(%dma_start3A_164 : memref<!tpu.dma_semaphore, #tpu.memory_space<semaphore_mem>>)
    }
    %scan3A_70 = arith.constant 64 : i32
    %dma_wait3A_71 = arith.constant 0 : i32
    %dma_wait3A_72 = arith.constant 0 : i32
    %dma_wait3A_73 = arith.constant 0 : i32
    %dma_wait3A_74 = arith.constant 0 : i32
    %dma_wait3A_75 = arith.constant 0 : i32
    %dma_wait3A_76 = tpu.memref_slice %arg7[%dma_wait3A_71, %dma_wait3A_73, %dma_wait3A_74, %dma_wait3A_75] : memref<2x2x200x64xf32, #tpu.memory_space<vmem>> -> memref<1x2x200x64xf32, #tpu.memory_space<vmem>>
    %dma_wait3A_77 = tpu.memref_squeeze %dma_wait3A_76 : memref<1x2x200x64xf32, #tpu.memory_space<vmem>> -> memref<2x200x64xf32, #tpu.memory_space<vmem>>
    %dma_wait3A_78 = arith.constant 0 : i32
    %dma_wait3A_79 = arith.constant 0 : i32
    %dma_wait3A_80 = arith.constant 0 : i32
    %dma_wait3A_81 = tpu.memref_slice %arg5[%dma_wait3A_78, %dma_wait3A_79, %dma_wait3A_80] : memref<4096x200x64xf32, #tpu.memory_space<hbm>> -> memref<2x200x64xf32, #tpu.memory_space<hbm>>
    %dma_wait3A_82 = tpu.memref_slice %arg11[%dma_wait3A_72] : memref<2x!tpu.dma_semaphore, #tpu.memory_space<semaphore_mem>> -> memref<1x!tpu.dma_semaphore, #tpu.memory_space<semaphore_mem>>
    %dma_wait3A_83 = tpu.memref_squeeze %dma_wait3A_82 : memref<1x!tpu.dma_semaphore, #tpu.memory_space<semaphore_mem>> -> memref<!tpu.dma_semaphore, #tpu.memory_space<semaphore_mem>>
    %dma_wait3A_84 = arith.constant 0 : i32
    %dma_wait3A_85 = arith.constant 0 : i32
    %dma_wait3A_86 = arith.constant 0 : i32
    %dma_wait3A_87 = tpu.memref_slice %arg5[%dma_wait3A_84, %dma_wait3A_85, %dma_wait3A_86] : memref<4096x200x64xf32, #tpu.memory_space<hbm>> -> memref<2x200x64xf32, #tpu.memory_space<hbm>>
    %dma_wait3A_88 = arith.constant 0 : i32
    %dma_wait3A_89 = arith.constant 0 : i32
    %dma_wait3A_90 = arith.constant 0 : i32
    %dma_wait3A_91 = tpu.memref_slice %arg7[%dma_wait3A_71, %dma_wait3A_88, %dma_wait3A_89, %dma_wait3A_90] : memref<2x2x200x64xf32, #tpu.memory_space<vmem>> -> memref<1x2x200x64xf32, #tpu.memory_space<vmem>>
    %dma_wait3A_92 = tpu.memref_squeeze %dma_wait3A_91 : memref<1x2x200x64xf32, #tpu.memory_space<vmem>> -> memref<2x200x64xf32, #tpu.memory_space<vmem>>
    tpu.wait_dma2 semaphore(%dma_wait3A_83 : memref<!tpu.dma_semaphore, #tpu.memory_space<semaphore_mem>>) src(%dma_wait3A_92 : memref<2x200x64xf32, #tpu.memory_space<vmem>>) dst(%dma_wait3A_87 : memref<2x200x64xf32, #tpu.memory_space<hbm>>)
    %dma_wait3A_93 = arith.constant 1 : i32
    %dma_wait3A_94 = arith.constant 1 : i32
    %dma_wait3A_95 = arith.constant 0 : i32
    %dma_wait3A_96 = arith.constant 0 : i32
    %dma_wait3A_97 = arith.constant 0 : i32
    %dma_wait3A_98 = tpu.memref_slice %arg7[%dma_wait3A_93, %dma_wait3A_95, %dma_wait3A_96, %dma_wait3A_97] : memref<2x2x200x64xf32, #tpu.memory_space<vmem>> -> memref<1x2x200x64xf32, #tpu.memory_space<vmem>>
    %dma_wait3A_99 = tpu.memref_squeeze %dma_wait3A_98 : memref<1x2x200x64xf32, #tpu.memory_space<vmem>> -> memref<2x200x64xf32, #tpu.memory_space<vmem>>
    %dma_wait3A_100 = arith.constant 0 : i32
    %dma_wait3A_101 = arith.constant 0 : i32
    %dma_wait3A_102 = arith.constant 0 : i32
    %dma_wait3A_103 = tpu.memref_slice %arg5[%dma_wait3A_100, %dma_wait3A_101, %dma_wait3A_102] : memref<4096x200x64xf32, #tpu.memory_space<hbm>> -> memref<2x200x64xf32, #tpu.memory_space<hbm>>
    %dma_wait3A_104 = tpu.memref_slice %arg11[%dma_wait3A_94] : memref<2x!tpu.dma_semaphore, #tpu.memory_space<semaphore_mem>> -> memref<1x!tpu.dma_semaphore, #tpu.memory_space<semaphore_mem>>
    %dma_wait3A_105 = tpu.memref_squeeze %dma_wait3A_104 : memref<1x!tpu.dma_semaphore, #tpu.memory_space<semaphore_mem>> -> memref<!tpu.dma_semaphore, #tpu.memory_space<semaphore_mem>>
    %dma_wait3A_106 = arith.constant 0 : i32
    %dma_wait3A_107 = arith.constant 0 : i32
    %dma_wait3A_108 = arith.constant 0 : i32
    %dma_wait3A_109 = tpu.memref_slice %arg5[%dma_wait3A_106, %dma_wait3A_107, %dma_wait3A_108] : memref<4096x200x64xf32, #tpu.memory_space<hbm>> -> memref<2x200x64xf32, #tpu.memory_space<hbm>>
    %dma_wait3A_110 = arith.constant 0 : i32
    %dma_wait3A_111 = arith.constant 0 : i32
    %dma_wait3A_112 = arith.constant 0 : i32
    %dma_wait3A_113 = tpu.memref_slice %arg7[%dma_wait3A_93, %dma_wait3A_110, %dma_wait3A_111, %dma_wait3A_112] : memref<2x2x200x64xf32, #tpu.memory_space<vmem>> -> memref<1x2x200x64xf32, #tpu.memory_space<vmem>>
    %dma_wait3A_114 = tpu.memref_squeeze %dma_wait3A_113 : memref<1x2x200x64xf32, #tpu.memory_space<vmem>> -> memref<2x200x64xf32, #tpu.memory_space<vmem>>
    tpu.wait_dma2 semaphore(%dma_wait3A_105 : memref<!tpu.dma_semaphore, #tpu.memory_space<semaphore_mem>>) src(%dma_wait3A_114 : memref<2x200x64xf32, #tpu.memory_space<vmem>>) dst(%dma_wait3A_109 : memref<2x200x64xf32, #tpu.memory_space<hbm>>)
    return
  }
}

</mosaic_0001>

<sc_bundles>
// kernel: _run.3.cloned.1.call-start
scs
__scs_entry_jumppad:
0x0: {  	(pc) =	sbr.rel $0x88, $3  }
0x1: {  	(tag) =	ssettag $0x0;
	lr =	simm.s32 $0x1  }
0x2: {  	[smem:$0x3F9E] =	sst lr;
	_ =	strace $0xD0000000  }
0x3: {  	_ = 	snop  }
0x4: {  	_ = 	snop  }
0x5: {  	_ = 	snop  }
0x6: {  	_ = 	snop  }
0x7: {  	_ = 	snop  }
__scs_overlays_trampoline_lowered:
0x8: {  	[smem:$0x3FAD] =	sst s0  }
0x9: {  	[smem:$0x3FAE] =	sst s1  }
0xa: {  	[smem:$0x3FAF] =	sst s2  }
0xb: {  	[smem:$0x3FB0] =	sst s3  }
0xc: {  	[smem:$0x3FB1] =	sst s4  }
0xd: {  	[smem:$0x3FB2] =	sst s5  }
0xe: {  	[smem:$0x3FB3] =	sst s6  }
0xf: {  	[smem:$0x3FB4] =	sst s7  }
0x10: {  	[smem:$0x3FB5] =	sst s8  }
0x11: {  	[smem:$0x3FB6] =	sst s9;
	s0 =	simm.s32 @!p0 $0x0  }
0x12: {  	s1 =	sld [smem:$0x3F9C];
	s0 =	simm.s32 @p0 $0x1  }
0x13: {  	[smem:$0x3FB7] =	sst s0;
	s0 =	simm.s32 @!p1 $0x0  }
0x14: {  	s2 =	sld [smem:$0x3F9B];
	s0 =	simm.s32 @p1 $0x1  }
0x15: {  	[smem:$0x3FB8] =	sst s0;
	s0 =	simm.s32 @!p2 $0x0  }
0x16: {  	s3 =	sld [smem:$0x3FDB];
	s0 =	simm.s32 @p2 $0x1  }
0x17: {  	s4 =	simm.s32 $0x1BF5;
	[smem:$0x3FBA] =	sst s0  }
0x18: {  	s0 =	sld [smem:$0x3F9D];
	_ =	swait.ge [sflag:s4], $0x0  }
0x19: {  	s7 =	sld [smem:$0x3F9E]  }
0x1a: {  	s8 =	sadd.s32 $0xFFFFE003, lr  }
0x1b: {  	s9 =	sadd.s32 $0xFFFFFEF7, lr;
	s5 =	simm.s32 $0xFFFFFFFF;
	p2 =	slt.u32 s8, $0xFFFFF086  }
0x1c: {  	p1 =	slt.u32 s9, $0xF7A;
	s5 =	simm.s32 @!p2 $0x0  }
0x1d: {  	s5 =	simm.s32 @p1 $0x1;
	p0 =	seq.s32 s7, s2  }
0x1e: {  	s7 =	smul.u32 @!p0 $0xF7A, s2;
	p2 =	seq.s32 @!p0 s5, $0x0  }
0x1f: {  	s9 =	smul.u32 $0xF7A, s1;
	s8 =	simm.s32 @!p0 $0x1BF5;
	p2 =	por !p2, p0  }
0x20: {  	[sflag:s8] =	ssyncset.s32 @!p0 $0xFFFFF086;
	s6 =	sadd.s32 @!p0 s3, s7;
	s7 =	simm.s32 @!p0 $0x108  }
0x21: {  	s3 =	sadd.s32 s3, s9;
	s6 =	sadd.s32 @!p0 $0x88, s6;
	s7 =	simm.s32 @p2 $0x1082  }
0x22: {  	[simem:s7], [sflag:s8] =	dma.local @!p0 [hbm:s6], $0xF7A  }
0x23: {  	s9 =	sor.u32 $0xD0000000, s2;
	s6 =	simm.s32 $0x108;
	_ =	swait.ge @!p0 [sflag:s8], $0x0  }
0x24: {  	s3 =	sadd.s32 $0x88, s3;
	s6 =	simm.s32 @!p1 $0x1082;
	[sflag:s4] =	ssyncset.s32 $0xFFFFF086  }
0x25: {  	[simem:s6], [sflag:s4] =	dma.local [hbm:s3], $0xF7A  }
0x26: {  	[smem:$0x3F9E] =	sst s1;
	(tag) =	ssettag s2;
	_ =	strace s9  }
0x27: {  	s1 =	sld [smem:$0x3FAE]  }
0x28: {  	s2 =	sld [smem:$0x3FAF]  }
0x29: {  	s4 =	sld [smem:$0x3FB1]  }
0x2a: {  	p0 =	seq.s32 s5, $0x0;
	s5 =	sld [smem:$0x3FB2]  }
0x2b: {  	s6 =	sld [smem:$0x3FB3]  }
0x2c: {  	s7 =	sld [smem:$0x3FB4]  }
0x2d: {  	s3 =	simm.s32 $0x108;
	s8 =	sld [smem:$0x3FB5]  }
0x2e: {  	s3 =	simm.s32 @!p0 $0x1082;
	s9 =	sld [smem:$0x3FB6]  }
0x2f: {  	lr =	sadd.s32 s0, s3;
	s0 =	sld [smem:$0x3FAD]  }
0x30: {  	s3 =	sld [smem:$0x3FB0]  }
0x31: {  	[smem:$0x3FB9] =	sst s10  }
0x32: {  	s10 =	sld [smem:$0x3FB7];
	_ =	sdelay $0x3  }
0x33: {  	p0 =	seq.s32 s10, $0x1;
	s10 =	sld [smem:$0x3FB9];
	_ =	sdelay $0x3  }
0x34: {  	[smem:$0x3FB9] =	sst s10  }
0x35: {  	s10 =	sld [smem:$0x3FB8];
	_ =	sdelay $0x3  }
0x36: {  	p1 =	seq.s32 s10, $0x1;
	s10 =	sld [smem:$0x3FB9];
	_ =	sdelay $0x3  }
0x37: {  	[smem:$0x3FB9] =	sst s10  }
0x38: {  	s10 =	sld [smem:$0x3FBA]  }
0x39: {  	_ = 	snop;
	(pc) =	sbr.ind lr, $3  }
0x3a: {  	_ = 	snop  }
0x3b: {  	_ = 	snop  }
0x3c: {  	p2 =	seq.s32 s10, $0x1;
	s10 =	sld [smem:$0x3FB9]  }
0x3d: {  	_ =	shalt  }
0x3e: {  	_ =	shalt  }
0x3f: {  	_ =	shalt  }
0x40: {  	_ =	shalt  }
0x41: {  	_ =	shalt  }
0x42: {  	_ =	shalt  }
0x43: {  	_ =	shalt  }
0x44: {  	_ =	shalt  }
0x45: {  	_ =	shalt  }
0x46: {  	_ =	shalt  }
0x47: {  	_ =	shalt  }
0x48: {  	_ =	shalt  }
0x49: {  	_ =	shalt  }
0x4a: {  	_ =	shalt  }
0x4b: {  	_ =	shalt  }
0x4c: {  	_ =	shalt  }
0x4d: {  	_ =	shalt  }
0x4e: {  	_ =	shalt  }
0x4f: {  	_ =	shalt  }
0x50: {  	_ =	shalt  }
0x51: {  	_ =	shalt  }
0x52: {  	_ =	shalt  }
0x53: {  	_ =	shalt  }
0x54: {  	_ =	shalt  }
0x55: {  	_ =	shalt  }
0x56: {  	_ =	shalt  }
0x57: {  	_ =	shalt  }
0x58: {  	_ =	shalt  }
0x59: {  	_ =	shalt  }
0x5a: {  	_ =	shalt  }
0x5b: {  	_ =	shalt  }
0x5c: {  	_ =	shalt  }
0x5d: {  	_ =	shalt  }
0x5e: {  	_ =	shalt  }
0x5f: {  	_ =	shalt  }
0x60: {  	_ =	shalt  }
0x61: {  	_ =	shalt  }
0x62: {  	_ =	shalt  }
0x63: {  	_ =	shalt  }
0x64: {  	_ =	shalt  }
0x65: {  	_ =	shalt  }
0x66: {  	_ =	shalt  }
0x67: {  	_ =	shalt  }
0x68: {  	_ =	shalt  }
0x69: {  	_ =	shalt  }
0x6a: {  	_ =	shalt  }
0x6b: {  	_ =	shalt  }
0x6c: {  	_ =	shalt  }
0x6d: {  	_ =	shalt  }
0x6e: {  	_ =	shalt  }
0x6f: {  	_ =	shalt  }
0x70: {  	_ =	shalt  }
0x71: {  	_ =	shalt  }
0x72: {  	_ =	shalt  }
0x73: {  	_ =	shalt  }
0x74: {  	_ =	shalt  }
0x75: {  	_ =	shalt  }
0x76: {  	_ =	shalt  }
0x77: {  	_ =	shalt  }
0x78: {  	_ =	shalt  }
0x79: {  	_ =	shalt  }
0x7a: {  	_ =	shalt  }
0x7b: {  	_ =	shalt  }
0x7c: {  	_ =	shalt  }
0x7d: {  	_ =	shalt  }
0x7e: {  	_ =	shalt  }
0x7f: {  	_ =	shalt  }
0x80: {  	_ =	shalt  }
0x81: {  	_ =	shalt  }
0x82: {  	_ =	shalt  }
0x83: {  	_ =	shalt  }
0x84: {  	_ =	shalt  }
0x85: {  	_ =	shalt  }
0x86: {  	_ =	shalt  }
0x87: {  	_ =	shalt  }
.Lfunc_end0:
.L_simem_size_0:
called_computation.1_lowered:
.L_overlay_start_0:
0x88: {  	s2 =	sld [smem:$0x3FD9]  }
0x89: {  	s3 =	sld [smem:$0x3FFE];
	_ =	sdelay $0x1  }
0x8a: {  	s1 =	srdreg.scid  }
0x8b: {  	s0 =	sand.u32 $0x1, s1  }
0x8c: {  	s17 =	sshll.u32 s0, $0xA;
	s2 =	sadd.s32 s3, s2  }
0x8d: {  	s2 =	sadd.s32 s2, s17  }
0x8e: {  	[smem:$0x3FC5] =	sst s2  }
0x8f: {  	_ = 	snop  }
0x90: {  	s2 =	sld [smem:$0x3FD0];
	(tm) =	ssettm $0x1  }
0x91: {  	s18 =	sld [smem:$0x3FFB];
	_ =	sdelay $0x3  }
0x92: {  	_ =	strace s18  }
0x93: {  	s3 =	sld [smem:$0x3FFC];
	_ =	sdelay $0x3  }
0x94: {  	_ =	strace s3  }
0x95: {  	s3 =	sld [smem:$0x3FFD];
	_ =	sdelay $0x3  }
0x96: {  	_ =	strace s3  }
0x97: {  	_ =	strace $0x8FFFFFFF  }
0x98: {  	s19 =	sld [smem:$0x3FDB];
	_ =	sdelay $0x1  }
0x99: {  	s4 =	simm.s32 $_scs_section_size  }
0x9a: {  	s5 =	simm.s32 $_size__tile_overlayer_lowered;
	s6 =	simm.s32 $_tile_overlayer_lowered  }
0x9b: {  	s22 =	simm.s32 $0x1BFF;
	s21 =	sshll.u32 s6, $0x1;
	s3 =	sadd.s32 s4, s19  }
0x9c: {  	s7 =	simm.s32 $0x0;
	s20 =	sshll.u32 s5, $0x1;
	s5 =	sadd.s32 s21, s3  }
0x9d: {  	[timem:s7], [sflag:s22] =	dma.local [hbm:s5], s20  }
0x9e: {  	_ =	swait.ge [sflag:s22], s20  }
0x9f: {  	s4 =	ssub.s32 $0x0, s20;
	[sflag:s22] =	ssyncset.done $0x0  }
0xa0: {  	[sflag:s22] =	ssyncadd.s32 s4;
	_ =	sdelay $0x1  }
0xa1: {  	s23 =	simm.s32 $0x1B8B  }
0xa2: {  	_ =	swait.ge [sflag:s23], $0x1  }
0xa3: {  	[sflag:s23] =	ssyncset.done $0x0  }
0xa4: {  	s25 =	simm.s32 $0x1B8E;
	s24 =	sld [smem:$0x3FFE];
	[sflag:s23] =	ssyncadd.s32 $0xFFFFFFFF  }
0xa5: {  	s26 =	simm.s32 $execute0_lowered;
	[smem:$0x3FD2] =	sst s25  }
0xa6: {  	s5 =	sshll.u32 s26, $0x1;
	_ =	strace $0x80000046;
	[dreg:$0x1] =	wrdreg $0xFFFFFFFF  }
0xa7: {  	s28 =	simm.s32 $_size_execute0_lowered;
	s3 =	sadd.s32 s3, s5;
	[dreg:$0x0] =	wrdreg $0x0  }
0xa8: {  	s5 =	sshll.u32 s28, $0x1;
	[dreg:$0x2] =	wrdreg s3  }
0xa9: {  	[dreg:$0x3] =	wrdreg s5  }
0xaa: {  	[dreg:$0x4] =	wrdreg $0xC0  }
0xab: {  	_ =	task [dreg:s7], $0x5FFFF  }
0xac: {  	[dreg:$0x1] =	wrdreg $0xFFFFFFFF  }
0xad: {  	[dreg:$0x0] =	wrdreg $0x60  }
0xae: {  	[dreg:$0x2] =	wrdreg s24  }
0xaf: {  	[dreg:$0x3] =	wrdreg s2  }
0xb0: {  	[dreg:$0x4] =	wrdreg $0xCB200  }
0xb1: {  	[dreg:$0x5] =	wrdreg $0x9  }
0xb2: {  	_ =	task.clear_ibuf [dreg:s7], $0x6FFFF;
	_ =	strace $0x90000046  }
0xb3: {  	s29 =	simm.s32 $0x9;
	_ =	strace $0x80000048  }
0xb4: {  	_ =	swait.ge [sflag:s29], $0x1  }
0xb5: {  	[sflag:s29] =	ssyncadd.s32 $0xFFFFFFFF  }
0xb6: {  	_ =	strace $0x90000048  }
0xb7: {  	_ =	sfence  }
0xb8: {  	s30 =	sld [smem:$0x0];
	_ =	sdelay $0x2  }
0xb9: {  	s31 =	sshll.u32 s1, $0xD;
	s1 =	sshrl.u32 s1, $0x2  }
0xba: {  	s3 =	sand.u32 $0x4000, s31;
	s1 =	sadd.s32 s1, s30  }
0xbb: {  	s0 =	sor.u32 s3, s0;
	s1 =	sshll.u32 s1, $0x11  }
0xbc: {  	s0 =	sor.u32 s1, s0  }
0xbd: {  	s0 =	sadd.s32 $0x8F2B, s0  }
0xbe: {  	[sflag:s0] =	ssyncadd.remote.s32 $0x1  }
0xbf: {  	_ =	sfence.sel $0xFFFF  }
0xc0: {  	[dreg:$0x0] =	wrdreg $0xFFFFFFFF;
	(pc) =	sbr.abs _section_cstart, $3  }
0xc1: {  	[dreg:$0x1] =	wrdreg $0xFFFFFFFF  }
0xc2: {  	_ =	task.clear_ibuf [dreg:s7], $0x2FFFF;
	_ =	strace $0x9FFFFFFF  }
0xc3: {  	(tm) =	ssettm $0x7FFFFFFF  }
tec
execute0_lowered:
.L_overlay_start_1:
0x0: {  	(tag) =	ssettag $0x1  }
0x1: {  	s4 =	rddreg [dreg:$0x0]  }
0x2: {  	s7 =	rddreg [dreg:$0x1]  }
0x3: {  	s1 =	rddreg [dreg:$0x2]  }
0x4: {  	s0 =	rddreg [dreg:$0x3];
	s3 =	srdreg.scid  }
0x5: {  	s2 =	simm.s32 $0x0;
	s8 =	stileid.u32;
	s15 =	simm.s32 $0x3520  }
0x6: {  	s16 =	simm.s32 $0x5;
	s17 =	simm.s32 $0x6;
	s18 =	simm.s32 $0x0  }
0x7: {  	s9 =	sand.u32 $0x1, s3;
	[smem:$0x7FF] =	sst s2;
	s30 =	sshll.u32 s8, $0x8  }
0x8: {  	s3 =	sadd.s32 $0xF43000, s4;
	s10 =	sadd.s32 $0xC00, s4;
	s12 =	smul.u32 $0x64000, s8  }
0x9: {  	s4 =	sadd.s32 $0x19C00, s4;
	s31 =	smul.u32 $0x1900, s8;
	s13 =	sadd.s32 $0x3200, s1  }
0xa: {  	p0 =	sne.s32 s8, $0x0;
	s5 =	sshll.u32 s9, $0x7;
	s14 =	smul.u32 $0xC80, s9  }
0xb: {  	s6 =	ssub.s32 $0x2, s9;
	s9 =	smul.u32 $0x32000, s9;
	s5 =	sor.u32 s5, s30  }
0xc: {  	_ =	strace $0x80000047;
	s11 =	sshrl.u32 s6, $0x1;
	s5 =	smul.u32 $0x19, s5  }
.Ltmp0:
0xd: {  	s7 =	sadd.s32 s12, s7;
	s12 =	simm.s32 $0x320;
	(pc) =	sbr.rel .LBB2_1-.Ltmp0, $4  }
0xe: {  	s6 =	ssub.s32 s6, s11;
	s7 =	sadd.s32 s9, s7;
	s9 =	sshrl.u32 @!p0 s1, $0x3  }
0xf: {  	s11 =	simm.s32 $0x7;
	s5 =	sadd.s32 s10, s5;
	s10 =	sadd.s32 s31, s10  }
0x10: {  	s6 =	smax.u32 s6, $0x1;
	s10 =	sadd.s32 s14, s10;
	s14 =	simm.s32 $0xC8  }
0x11: {  	s8 =	sadd.s32 $0x32, s10;
	s10 =	sshrl.u32 @!p0 s13, $0x3;
	s13 =	simm.s32 $0x1  }
.LBB2_7:
0x12: {  	s18 =	sadd.s32 $0x1, s18  }
0x13: {  	_ =	swait.ge [sflag:s16], $0x6400;
	p1 =	sne.s32 s18, s6  }
.Ltmp1:
0x14: {  	[sflag:s16] =	ssyncset.done $0x0;
	(pc) =	sbr.rel @!p1 .LBB2_8-.Ltmp1, $4  }
0x15: {  	[sflag:s16] =	ssyncadd.s32 $0xFFFF9C00  }
0x16: {  	_ =	swait.ge [sflag:s17], $0x6400  }
0x17: {  	[sflag:s17] =	ssyncset.done $0x0  }
0x18: {  	[sflag:s17] =	ssyncadd.s32 $0xFFFF9C00  }
.LBB2_1:
0x19: {  	s19 =	simm.s32 @!p0 $0x1C07;
	s20 =	simm.s32 @!p0 $0x7  }
0x1a: {  	[spmem:s9], [sflag:s19] =	dma.local @!p0 [hbm:s4], $0x640  }
0x1b: {  	_ =	swait.ge @!p0 [sflag:s20], $0x640  }
0x1c: {  	[sflag:s20] =	ssyncset.done @!p0 $0x0  }
0x1d: {  	[sflag:s20] =	ssyncadd.s32 @!p0 $0xFFFFF9C0  }
0x1e: {  	[spmem:s10], [sflag:s19] =	dma.local @!p0 [hbm:s4], $0x640  }
0x1f: {  	_ =	swait.ge @!p0 [sflag:s20], $0x640  }
0x20: {  	[sflag:s20] =	ssyncset.done @!p0 $0x0  }
0x21: {  	[sflag:s20] =	ssyncadd.s32 @!p0 $0xFFFFF9C0  }
0x22: {  	[bflag:$0x0] =	sbarrier.arrive $0xFFFF  }
0x23: {  	[tilespmem:s2], [sflag:$0x7] =	stream.linear.gather [hbm4b:s5+s2], $0x190, $0x38;
	[tilespmem:$0xD160] =	vst v63  }
0x24: {  	_ =	swait.ge [sflag:s11], $0x190  }
0x25: {  	[sflag:s11] =	ssyncset.done $0x0  }
0x26: {  	[sflag:s11] =	ssyncadd.s32 $0xFFFFFE70  }
0x27: {  	[tilespmem:s12], [sflag:$0x1] =	stream.linear.gather [spmem:s1], $0x6400, $0x38;
	[tilespmem:$0xD160] =	vst v63  }
0x28: {  	_ =	swait.ge [sflag:s13], $0x6400  }
.Ltmp2:
0x29: {  	[sflag:s13] =	ssyncset.done $0x0;
	(pc) =	sbr.rel .LBB2_2-.Ltmp2, $4  }
0x2a: {  	[sflag:s13] =	ssyncadd.s32 $0xFFFF9C00  }
0x2b: {  	[tilespmem:s12], [sflag:$0x3] =	stream.indirect.gather.add.f32 [hbm:s3], $0x40, s2, s14, $0xb8;
	[tilespmem:$0xD160] =	vst v63  }
0x2c: {  	s21 =	simm.s32 $0x0;
	s19 =	smov.u32 s8;
	s20 =	smov.u32 s7  }
0x2d: {  	[tilespmem:s15], [sflag:$0x3] =	stream.indirect.gather.add.f32 [hbm:s3], $0x40, s14, s14, $0xb8;
	[tilespmem:$0xD160] =	vst v63  }
.LBB2_5:
0x2e: {  	s24 =	smul.u32 $0x640, s23;
	_ =	sdelay $0x1  }
0x2f: {  	s25 =	smul.u32 $0x19000, s23;
	s24 =	sshrl.u32 s24, $0x2  }
0x30: {  	[tilespmem:s24], [sflag:$0x7] =	stream.linear.gather [hbm4b:s19+s2], $0x190, $0x38;
	[tilespmem:$0xD160] =	vst v63  }
0x31: {  	_ =	swait.ge [sflag:s11], $0x190  }
0x32: {  	s25 =	sshrl.u32 s25, $0x2;
	[sflag:s11] =	ssyncset.done $0x0  }
0x33: {  	s26 =	sadd.s32 $0x1, s23;
	s28 =	sor.u32 $0x320, s25;
	[sflag:s11] =	ssyncadd.s32 $0xFFFFFE70  }
0x34: {  	[tilespmem:s28], [sflag:s26] =	stream.linear.gather [spmem:s1], $0x6400, $0x38;
	[tilespmem:$0xD160] =	vst v63  }
0x35: {  	_ =	swait.ge [sflag:s26], $0x6400  }
0x36: {  	[sflag:s26] =	ssyncset.done $0x0  }
0x37: {  	s31 =	sadd.s32 $0x3, s23;
	[sflag:s26] =	ssyncadd.s32 $0xFFFF9C00  }
0x38: {  	[tilespmem:s28], [sflag:s31] =	stream.indirect.gather.add.f32 [hbm:s3], $0x40, s24, s14, $0xb8;
	[tilespmem:$0xD160] =	vst v63  }
0x39: {  	s25 =	sadd.s32 $0x3520, s25;
	s24 =	sadd.s32 $0xC8, s24  }
0x3a: {  	[tilespmem:s25], [sflag:s31] =	stream.indirect.gather.add.f32 [hbm:s3], $0x40, s24, s14, $0xb8;
	[tilespmem:$0xD160] =	vst v63  }
.LBB2_6:
0x3b: {  	s23 =	sadd.s32 $0x3, s22  }
0x3c: {  	_ =	swait.ge [sflag:s23], $0x3200  }
0x3d: {  	s21 =	sadd.s32 $0x1, s21;
	[sflag:s23] =	ssyncset.done $0x0  }
0x3e: {  	s24 =	smul.u32 $0x19000, s22;
	p1 =	sne.s32 s21, $0x40;
	[sflag:s23] =	ssyncadd.s32 $0xFFFFCE00  }
.Ltmp3:
0x3f: {  	_ =	swait.ge [sflag:s23], $0x3200;
	(pc) =	sbr.rel @!p1 .LBB2_7-.Ltmp3, $4  }
0x40: {  	s30 =	sshrl.u32 s24, $0x2;
	[sflag:s23] =	ssyncset.done $0x0  }
0x41: {  	s31 =	sadd.s32 $0x5, s22;
	[sflag:s23] =	ssyncadd.s32 $0xFFFFCE00;
	s23 =	sor.u32 $0x320, s30  }
0x42: {  	[hbm4b:s20+s2] =	stream.linear.scatter [tilespmem:s23], [sflag:s31], $0x6400, $0x38;
	[tilespmem:$0xD160] =	vst v63  }
0x43: {  	s19 =	sadd.s32 $0x32, s19;
	s20 =	sadd.s32 $0xC80, s20  }
.LBB2_2:
0x44: {  	p1 =	seq.s32 s21, $0x0  }
.Ltmp4:
0x45: {  	_ = 	snop;
	(pc) =	sbr.rel @p1 .LBB2_5-.Ltmp4, $3  }
0x46: {  	_ =	sdelay $0x1  }
0x47: {  	s22 =	sand.u32 $0x1, s21  }
0x48: {  	s23 =	sxor.u32 $0x1, s22  }
0x49: {  	p1 =	seq.s32 s21, $0x3F  }
.Ltmp5:
0x4a: {  	_ = 	snop;
	(pc) =	sbr.rel @p1 .LBB2_6-.Ltmp5, $1  }
0x4b: {  	_ =	sdelay $0x3  }
.Ltmp6:
0x4c: {  	(pc) =	sbr.rel .LBB2_5-.Ltmp6, $4  }
0x4d: {  	s24 =	sadd.s32 $0x5, s23  }
0x4e: {  	_ =	swait.ge [sflag:s24], $0x6400  }
0x4f: {  	[sflag:s24] =	ssyncset.done $0x0  }
0x50: {  	[sflag:s24] =	ssyncadd.s32 $0xFFFF9C00  }
.LBB2_8:
0x51: {  	_ =	sfence.sel $0x180000  }
0x52: {  	[bflag:$0x0] =	sbarrier.arrive $0xFFFF  }
0x53: {  	_ =	strace $0x90000047  }
0x54: {  	s0 =	sadd.s32 @!p0 $0x100000, s0;
	[bflag:$0x2] =	sbarrier.arrive $0xFFFF  }
0x55: {  	[sflag:s0] =	ssyncadd.tile.s32 @!p0 $0x1;
	_ =	shalt  }
.Lfunc_end2:
_tile_overlayer_lowered:
.L_overlay_start_2:
0x56: {  	(tag) =	ssettag $0x2  }
0x57: {  	s0 =	rddreg [dreg:$0x0];
	s2 =	stileid.u32  }
0x58: {  	s1 =	rddreg [dreg:$0x1];
	p0 =	sne.s32 s2, $0x0  }
0x59: {  	s3 =	rddreg [dreg:$0x2];
	[bflag:$0x3] =	sbarrier.arrive $0xFFFF;
	s2 =	simm.s32 @!p0 $0x1C07  }
0x5a: {  	[timem:s3], [sflag:s2] =	dma.local @!p0 [hbm:s0], s1  }
0x5b: {  	s0 =	simm.s32 @!p0 $0x7  }
0x5c: {  	_ =	swait.ge @!p0 [sflag:s0], s1  }
0x5d: {  	s1 =	ssub.s32 @!p0 $0x0, s1;
	[sflag:s0] =	ssyncset.done @!p0 $0x0  }
0x5e: {  	[sflag:s0] =	ssyncadd.s32 @!p0 s1  }
0x5f: {  	[bflag:$0x3] =	sbarrier.arrive $0xFFFF  }
0x60: {  	_ =	shalt  }

// kernel: sparse-core-data-format-call.cloned.1.call-start
scs
called_computation_lowered:
.L_overlay_start_0:
0x0: {  	s2 =	sld [smem:$0x3FD9]  }
0x1: {  	s3 =	sld [smem:$0x3FFE];
	_ =	sdelay $0x1  }
0x2: {  	s1 =	srdreg.scid  }
0x3: {  	s0 =	sand.u32 $0x1, s1  }
0x4: {  	s18 =	sshll.u32 s0, $0xA;
	s2 =	sadd.s32 s3, s2  }
0x5: {  	s2 =	sadd.s32 s2, s18  }
0x6: {  	[smem:$0x3FC5] =	sst s2  }
0x7: {  	_ = 	snop  }
0x8: {  	s2 =	sld [smem:$0x3FD0];
	(tm) =	ssettm $0x1  }
0x9: {  	s19 =	sld [smem:$0x3FFB];
	_ =	sdelay $0x3  }
0xa: {  	_ =	strace s19  }
0xb: {  	s3 =	sld [smem:$0x3FFC];
	_ =	sdelay $0x3  }
0xc: {  	_ =	strace s3  }
0xd: {  	s3 =	sld [smem:$0x3FFD];
	_ =	sdelay $0x3  }
0xe: {  	_ =	strace s3  }
0xf: {  	_ =	strace $0x8FFFFFFF  }
0x10: {  	s20 =	sld [smem:$0x3FDB];
	_ =	sdelay $0x1  }
0x11: {  	s4 =	simm.s32 $_scs_section_size  }
0x12: {  	s5 =	simm.s32 $_size__tile_overlayer_lowered;
	s6 =	simm.s32 $_tile_overlayer_lowered  }
0x13: {  	s23 =	simm.s32 $0x1BFF;
	s22 =	sshll.u32 s6, $0x1;
	s3 =	sadd.s32 s4, s20  }
0x14: {  	s7 =	simm.s32 $0x0;
	s21 =	sshll.u32 s5, $0x1;
	s5 =	sadd.s32 s22, s3  }
0x15: {  	[timem:s7], [sflag:s23] =	dma.local [hbm:s5], s21  }
0x16: {  	_ =	swait.ge [sflag:s23], s21  }
0x17: {  	s4 =	ssub.s32 $0x0, s21;
	[sflag:s23] =	ssyncset.done $0x0  }
0x18: {  	[sflag:s23] =	ssyncadd.s32 s4;
	_ =	sdelay $0x1  }
0x19: {  	s24 =	simm.s32 $0x1B8B  }
0x1a: {  	_ =	swait.ge [sflag:s24], $0x1  }
0x1b: {  	[sflag:s24] =	ssyncset.done $0x0  }
0x1c: {  	s26 =	simm.s32 $0x1B8E;
	s25 =	sld [smem:$0x3FFE];
	[sflag:s24] =	ssyncadd.s32 $0xFFFFFFFF  }
0x1d: {  	s27 =	simm.s32 $execute0_lowered;
	[smem:$0x3FD2] =	sst s26  }
0x1e: {  	s5 =	sshll.u32 s27, $0x1;
	_ =	strace $0x80000049;
	[dreg:$0x1] =	wrdreg $0xFFFFFFFF  }
0x1f: {  	s28 =	simm.s32 $_size_execute0_lowered;
	s3 =	sadd.s32 s3, s5;
	[dreg:$0x0] =	wrdreg $0x0  }
0x20: {  	s5 =	sshll.u32 s28, $0x1;
	[dreg:$0x2] =	wrdreg s3  }
0x21: {  	[dreg:$0x3] =	wrdreg s5  }
0x22: {  	[dreg:$0x4] =	wrdreg $0xC0  }
0x23: {  	_ =	task [dreg:s7], $0x5FFFF  }
0x24: {  	[dreg:$0x1] =	wrdreg $0xFFFFFFFF  }
0x25: {  	[dreg:$0x0] =	wrdreg $0x60  }
0x26: {  	[dreg:$0x2] =	wrdreg s25  }
0x27: {  	[dreg:$0x3] =	wrdreg s2  }
0x28: {  	[dreg:$0x4] =	wrdreg $0x9  }
0x29: {  	_ =	task.clear_ibuf [dreg:s7], $0x5FFFF;
	_ =	strace $0x90000049  }
0x2a: {  	s29 =	simm.s32 $0x9;
	_ =	strace $0x8000004B  }
0x2b: {  	_ =	swait.ge [sflag:s29], $0x1  }
0x2c: {  	[sflag:s29] =	ssyncadd.s32 $0xFFFFFFFF  }
0x2d: {  	_ =	strace $0x9000004B  }
0x2e: {  	_ =	sfence  }
0x2f: {  	s30 =	sld [smem:$0x0];
	_ =	sdelay $0x2  }
0x30: {  	s31 =	sshll.u32 s1, $0xD;
	s1 =	sshrl.u32 s1, $0x2  }
0x31: {  	s3 =	sand.u32 $0x4000, s31;
	s1 =	sadd.s32 s1, s30  }
0x32: {  	s0 =	sor.u32 s3, s0;
	s1 =	sshll.u32 s1, $0x11  }
0x33: {  	s0 =	sor.u32 s1, s0  }
0x34: {  	s0 =	sadd.s32 $0x8F2B, s0  }
0x35: {  	[sflag:s0] =	ssyncadd.remote.s32 $0x1  }
0x36: {  	_ =	sfence.sel $0xFFFF  }
0x37: {  	[dreg:$0x0] =	wrdreg $0xFFFFFFFF;
	(pc) =	sbr.abs _section_cstart, $3  }
0x38: {  	[dreg:$0x1] =	wrdreg $0xFFFFFFFF  }
0x39: {  	_ =	task.clear_ibuf [dreg:s7], $0x2FFFF;
	_ =	strace $0x9FFFFFFF  }
0x3a: {  	(tm) =	ssettm $0x7FFFFFFF  }
0x3b: {  	_ =	shalt  }
tec
execute0_lowered:
.L_overlay_start_1:
0x0: {  	(tag) =	ssettag $0x1  }
0x1: {  	s0 =	srdreg.scid  }
0x2: {  	s1 =	sshll.u32 s0, $0x4  }
0x3: {  	s0 =	stileid.u32;
	s1 =	sand.u32 $0x10, s1  }
0x4: {  	s1 =	sor.u32 s0, s1  }
0x5: {  	s6 =	rddreg [dreg:$0x0];
	s4 =	simm.s32 $0x1;
	s2 =	sshll.u32 s1, $0x7  }
0x6: {  	s7 =	simm.s32 $0x2;
	s12 =	simm.s32 $0x0;
	s1 =	ssub.s32 $0x1000, s2  }
0x7: {  	s8 =	simm.s32 $0x8000;
	s13 =	simm.s32 $0x0;
	s3 =	sand.u32 $0xF80, s1  }
0x8: {  	s9 =	simm.s32 $0x0;
	s5 =	sshrl.u32 s1, $0xC;
	p0 =	sne.s32 s3, $0x0  }
.Ltmp0:
0x9: {  	s1 =	rddreg [dreg:$0x2];
	s4 =	simm.s32 @!p0 $0x0;
	(pc) =	sbr.rel .LBB1_1-.Ltmp0, $4  }
0xa: {  	s11 =	simm.s32 $0x0;
	s3 =	rddreg [dreg:$0x1];
	s5 =	sadd.s32 s4, s5  }
0xb: {  	_ =	strace $0x8000004A;
	s4 =	simm.s32 $0x1;
	s5 =	smul.u32 $0xC8, s5  }
0xc: {  	s6 =	sadd.s32 $0xC00, s6;
	s10 =	smov.u32 s2;
	[sflag:s4] =	ssyncpa.u1 $0x0  }
0xd: {  	p0 =	por $0x0, $0x0;
	[sflag:s7] =	ssyncpa.u1 $0x0;
	s7 =	sor.u32 $0x1, s5  }
.LBB1_4:
0xe: {  	s16 =	sshll.u32 s13, $0x3;
	s17 =	sand.u32 $0x78, s13  }
0xf: {  	s30 =	sand.u32 $0x7E00, s13;
	s12 =	sshll.u32 s12, $0xF;
	s16 =	sand.u32 $0xC00, s16  }
0x10: {  	[tilespmem:s15+$0x810 ss:$0x81] =	vst.msk $0xffff, v2;
	s31 =	sand.u32 $0x7, s13;
	s16 =	sor.u32 s17, s16;
	s17 =	sadd.s32 s3, s30  }
0x11: {  	[tilespmem:s15+$0x1020 ss:$0x81] =	vst.msk $0xffff, v0;
	s13 =	sshll.u32 s31, $0x12;
	s12 =	sadd.s32 s12, s17;
	s16 =	sshrl.u32 s16, $0x3  }
0x12: {  	[tilespmem:s15+$0x0 ss:$0x81] =	vst.msk $0xffff, v1;
	s13 =	sor.u32 $0x400, s13;
	s12 =	sadd.s32 s16, s12  }
0x13: {  	[hbm4b:s12+s13] =	stream.strided.scatter [tilespmem:s14], [sflag:$0x2], $0x2000, s8, s13, $0x20;
	[tilespmem:$0x8080] =	vst v63  }
.LBB1_5:
0x14: {  	s14 =	sadd.s32 $0x1, s9  }
0x15: {  	s12 =	sadd.s32 $0x1000, s10;
	s16 =	smov.u32 s10;
	p2 =	sgt.s32 s14, $0xC7  }
0x16: {  	s16 =	smov.u32 @p2 s12  }
0x17: {  	s14 =	simm.s32 @p2 $0x0;
	p2 =	sgt.s32 s16, $0xFFF  }
0x18: {  	s16 =	smov.u32 @p2 s2;
	p2 =	sne.s32 s11, s7  }
.Ltmp1:
0x19: {  	p1 =	slt.u32 s11, $0x2;
	(pc) =	sbr.rel @!p2 .LBB1_6-.Ltmp1, $4  }
0x1a: {  	s15 =	simm.s32 @!p1 $0x2  }
0x1b: {  	s13 =	smov.u32 s10;
	p0 =	por !p0, !p0;
	_ =	swait.ge @!p1 [sflag:s15], $0x2000  }
0x1c: {  	s12 =	smov.u32 s9;
	[sflag:s15] =	ssyncset.done @!p1 $0x0;
	s9 =	smov.u32 s14  }
0x1d: {  	s11 =	sadd.s32 $0x1, s11;
	[sflag:s15] =	ssyncadd.s32 @!p1 $0xFFFFE000;
	s10 =	smov.u32 s16  }
.LBB1_1:
0x1e: {  	p1 =	sge.u32 s11, s5  }
0x1f: {  	s14 =	sand.u32 @!p1 $0x1FFFFFF, s9  }
0x20: {  	s15 =	smulhi.u32 @!p1 $0x147AE15, s14;
	_ =	sdelay $0x1  }
0x21: {  	s15 =	smul.u32 @!p1 $0xC8, s15  }
0x22: {  	s16 =	sxor.u32 @!p1 $0xFFFFFFFF, s11;
	s17 =	smul.u32 @!p1 $0xC80, s10  }
0x23: {  	s31 =	sadd.s32 $0xFFFFFFFF, s11;
	s16 =	sshll.u32 @!p1 s16, $0xD;
	s14 =	ssub.s32 @!p1 s14, s15  }
0x24: {  	s15 =	sand.u32 @!p1 $0x2000, s16;
	s16 =	sadd.s32 @!p1 s6, s17;
	s14 =	sshll.u32 @!p1 s14, $0x4  }
0x25: {  	s17 =	simm.s32 @!p1 $0x6400;
	s14 =	sadd.s32 @!p1 s14, s16;
	s16 =	simm.s32 @!p1 $0x40  }
0x26: {  	[tilespmem:s15], [sflag:$0x1] =	stream.strided.gather @!p1 [hbm4b:s14+s16], $0x2000, s17, s16, $0x38;
	[tilespmem:$0x8080] =	vst v63  }
0x27: {  	p1 =	sge.u32 s31, s5  }
.Ltmp2:
0x28: {  	_ = 	snop;
	(pc) =	sbr.rel @p1 .LBB1_5-.Ltmp2, $1  }
0x29: {  	_ =	sdelay $0x3  }
0x2a: {  	s14 =	simm.s32 $0x1  }
0x2b: {  	_ =	swait.ge [sflag:s4], $0x2000;
	s14 =	simm.s32 @!p0 $0x0  }
0x2c: {  	[sflag:s4] =	ssyncset.done $0x0;
	s15 =	sshll.u32 s14, $0xD  }
0x2d: {  	[sflag:s4] =	ssyncadd.s32 $0xFFFFE000;
	s18 =	sor.u32 $0x20, s15  }
0x2e: {  	s14 =	smul.u32 $0x8100, s14;
	v3 =	vld [tilespmem:s18+$0x10]  }
0x2f: {  	s30 =	sand.u32 $0x1, s11;
	v2 =	vld [tilespmem:s18+$0xFFFFFFF0]  }
0x30: {  	s15 =	smul.u32 $0x8100, s30;
	s14 =	sshrl.u32 s14, $0x2;
	v0 =	vld [tilespmem:s18+$0x0]  }
0x31: {  	v1 =	vld [tilespmem:s18+$0xFFFFFFE0];
	s16 =	sor.u32 $0x4000, s14  }
0x32: {  	s31 =	sshrl.u32 s15, $0x2;
	s15 =	sadd.s32 $0x0, s16  }
0x33: {  	s17 =	simm.s32 $0x4;
	s18 =	sadd.s32 $0x40, s18;
	s14 =	sor.u32 $0x4000, s31;
	[tilespmem:s15+$0x1830 ss:$0x81] =	vst.msk $0xffff, v3  }
.LBB1_3:
0x34: {  	v3 =	vld [tilespmem:s18+$0x10];
	p1 =	sne.s32 s17, $0x1FC;
	[tilespmem:s15+$0x810 ss:$0x81] =	vst.msk $0xffff, v2;
	s19 =	smov.u32 s17;
	s17 =	sadd.s32 $0x4, s17  }
.Ltmp3:
0x35: {  	v2 =	vld [tilespmem:s18+$0xFFFFFFF0];
	[tilespmem:s15+$0x1020 ss:$0x81] =	vst.msk $0xffff, v0;
	(pc) =	sbr.rel @p1 .LBB1_3-.Ltmp3, $4  }
0x36: {  	v0 =	vld [tilespmem:s18+$0x0];
	[tilespmem:s15+$0x0 ss:$0x81] =	vst.msk $0xffff, v1  }
0x37: {  	s15 =	sshra.s32 s19, $0x2;
	v1 =	vld [tilespmem:s18+$0xFFFFFFE0]  }
0x38: {  	s15 =	sadd.s32 s15, s16  }
0x39: {  	s18 =	sadd.s32 $0x40, s18;
	[tilespmem:s15+$0x1830 ss:$0x81] =	vst.msk $0xffff, v3  }
.Ltmp4:
0x3a: {  	_ = 	snop;
	(pc) =	sbr.rel .LBB1_4-.Ltmp4, $1  }
0x3b: {  	_ =	sdelay $0x3  }
.LBB1_6:
0x3c: {  	_ =	sfence.sel $0x180000  }
0x3d: {  	s2 =	simm.s32 $0x1;
	[bflag:$0x0] =	sbarrier.arrive $0xFFFF  }
0x3e: {  	s31 =	simm.s32 $0x2;
	[sflag:s2] =	ssyncpa.u1 $0x1  }
0x3f: {  	[sflag:s31] =	ssyncpa.u1 $0x1  }
0x40: {  	p0 =	sne.s32 s0, $0x0;
	_ =	strace $0x9000004A  }
0x41: {  	s0 =	sadd.s32 @!p0 $0x100000, s1;
	[bflag:$0x2] =	sbarrier.arrive $0xFFFF  }
0x42: {  	[sflag:s0] =	ssyncadd.tile.s32 @!p0 $0x1;
	_ =	shalt  }
.Lfunc_end1:
_tile_overlayer_lowered:
.L_overlay_start_2:
0x43: {  	(tag) =	ssettag $0x2  }
0x44: {  	s0 =	rddreg [dreg:$0x0];
	s2 =	stileid.u32  }
0x45: {  	s1 =	rddreg [dreg:$0x1];
	p0 =	sne.s32 s2, $0x0  }
0x46: {  	s3 =	rddreg [dreg:$0x2];
	[bflag:$0x3] =	sbarrier.arrive $0xFFFF;
	s2 =	simm.s32 @!p0 $0x1C01  }
0x47: {  	[timem:s3], [sflag:s2] =	dma.local @!p0 [hbm:s0], s1  }
0x48: {  	s0 =	simm.s32 @!p0 $0x1  }
0x49: {  	_ =	swait.ge @!p0 [sflag:s0], s1  }
0x4a: {  	s1 =	ssub.s32 @!p0 $0x0, s1;
	[sflag:s0] =	ssyncset.done @!p0 $0x0  }
0x4b: {  	[sflag:s0] =	ssyncadd.s32 @!p0 s1  }
0x4c: {  	[bflag:$0x3] =	sbarrier.arrive $0xFFFF  }
0x4d: {  	_ =	shalt  }

</sc_bundles>
